<compile_context>
chip_gen: v7x
topology: tpu7x:2x2x1
jax: 0.10.2.dev20260603
libtpu: 0.0.44.dev20260713+nightly
codegen_flags: <defaults>
</compile_context>

<pallas_src>
import functools

import jax
import jax.numpy as jnp
from jax import lax
from jax.experimental import pallas as pl
from jax.experimental.pallas import tpu as pltpu
from jax.experimental.pallas import tpu_sc as plsc

V = 1000000
DIM = 64
B = 4096
S = 200
S_SUB = 100
NC, NS = 2, 16
NW = NC * NS
B_PER_W = B // NW
NBUF = 4
N_ROUND = B_PER_W // NBUF

VB = 8192
NSTEP = -(-V // VB)

_mesh = plsc.VectorSubcoreMesh(core_axis_name="c", subcore_axis_name="s")


def _linearize_body(wt_ref, out_ref):
    out_ref[:, 0:DIM] = jnp.transpose(wt_ref[...], (1, 0))


_linearize = pl.pallas_call(
    _linearize_body,
    grid=(NSTEP,),
    in_specs=[pl.BlockSpec((DIM, VB), lambda i: (0, i))],
    out_specs=pl.BlockSpec((VB, 128), lambda i: (i, 0)),
    out_shape=jax.ShapeDtypeStruct((V, 128), jnp.float32),
)


@functools.partial(
    pl.kernel,
    mesh=_mesh,
    out_type=jax.ShapeDtypeStruct((B, S_SUB, DIM), jnp.float32),
    scratch_types=[
        pltpu.VMEM((B_PER_W, S_SUB), jnp.int32),
        pltpu.VMEM((NBUF, S_SUB, 128), jnp.float32),
        [pltpu.SemaphoreType.DMA] * NBUF,
        [pltpu.SemaphoreType.DMA] * NBUF,
    ],
    compiler_params=pltpu.CompilerParams(use_tc_tiling_on_sc=False),
)
def _emb_lookup(idx_hbm, table_hbm, out_hbm, idx_v, rows_v, gsems, wsems):
    wid = lax.axis_index("s") * NC + lax.axis_index("c")
    pltpu.sync_copy(idx_hbm.at[pl.ds(wid * B_PER_W, B_PER_W)], idx_v)
    b_base = wid * B_PER_W

    def start_gather(j, b):
        pltpu.async_copy(table_hbm.at[idx_v.at[j]], rows_v.at[b], gsems[b])

    for b in range(NBUF):
        start_gather(b, b)

    def body(r, carry):
        j0 = r * NBUF
        for b in range(NBUF):
            pltpu.make_async_copy(
                table_hbm.at[idx_v.at[0]], rows_v.at[b], gsems[b]).wait()
            pltpu.async_copy(
                rows_v.at[b, :, pl.ds(0, DIM)],
                out_hbm.at[b_base + j0 + b], wsems[b])
        for b in range(NBUF):
            pltpu.make_async_copy(
                rows_v.at[b, :, pl.ds(0, DIM)], out_hbm.at[0],
                wsems[b]).wait()
            jn = j0 + b + NBUF

            @pl.when(jn < B_PER_W)
            def _():
                start_gather(jn, b)

        return carry

    lax.fori_loop(0, N_ROUND, body, 0)


def kernel(input_ids, weight):
    wt = weight.T
    table = _linearize(wt)
    halves = [_emb_lookup(input_ids[:, 0:S_SUB], table),
              _emb_lookup(input_ids[:, S_SUB:S], table)]
    out_t = jnp.concatenate(
        [jnp.transpose(h, (1, 2, 0)) for h in halves], axis=0)
    return out_t.transpose(2, 0, 1)

# --- scband reference (transcript-rebuilt; emitter-appended) ---
"""Pipeline reference for scband-vocab-parallel-embedding-25031069401259 (READ-ONLY COPY).

The authoritative reference and input builder live on the scoring server;
editing this copy changes nothing except your own understanding.
"""

import jax, jax.numpy as jnp
import numpy as np

NUM_EMBEDDINGS = 1000000
EMBEDDING_DIM = 64

def setup_inputs(seed: int = 0) -> dict:
    key = jax.random.key(seed)
    k1, k2 = jax.random.split(key)
    input_ids = jax.random.randint(k1, (4096, 200), 0, NUM_EMBEDDINGS, dtype=jnp.int64 if jax.config.read('jax_enable_x64') else jnp.int32)
    weight = jax.random.normal(k2, (NUM_EMBEDDINGS, EMBEDDING_DIM), dtype=jnp.float32) * 0.02
    return {"input_ids": input_ids, "weight": weight}

def reference(input_ids, weight):
    # tp_world_size == 1 path: plain embedding lookup (gather rows of the table)
    # VocabParallelEmbedding.forward -> F.embedding(masked_input, self.weight)
    output_parallel = jnp.take(weight, input_ids, axis=0)
    return output_parallel

if __name__ == "__main__":
    import jax
    _d = setup_inputs()
    print(jax.jit(kernel)(*tuple(_d.values())))

</pallas_src>

<mosaic_0001>
#map = affine_map<(d0, d1) -> (0, 0)>
#map1 = affine_map<(d0, d1) -> (0, 0, 0)>
module attributes {stable_mosaic.version = 14 : i64} {
  func.func @_emb_lookup(%arg0: i32, %arg1: i32, %arg2: memref<4096x100xi32, #tpu.memory_space<hbm>>, %arg3: memref<1000000x128xf32, #tpu.memory_space<hbm>>, %arg4: memref<4096x100x64xf32, #tpu.memory_space<hbm>>, %arg5: memref<128x100xi32, #tpu.memory_space<vmem>>, %arg6: memref<4x100x128xf32, #tpu.memory_space<vmem>>, %arg7: memref<!tpu.dma_semaphore, #tpu.memory_space<semaphore_mem>>, %arg8: memref<!tpu.dma_semaphore, #tpu.memory_space<semaphore_mem>>, %arg9: memref<!tpu.dma_semaphore, #tpu.memory_space<semaphore_mem>>, %arg10: memref<!tpu.dma_semaphore, #tpu.memory_space<semaphore_mem>>, %arg11: memref<!tpu.dma_semaphore, #tpu.memory_space<semaphore_mem>>, %arg12: memref<!tpu.dma_semaphore, #tpu.memory_space<semaphore_mem>>, %arg13: memref<!tpu.dma_semaphore, #tpu.memory_space<semaphore_mem>>, %arg14: memref<!tpu.dma_semaphore, #tpu.memory_space<semaphore_mem>>) attributes {dimension_semantics = [#tpu.dimension_semantics<core_parallel>, #tpu.dimension_semantics<subcore_parallel>], iteration_bounds = array<i64: 2, 16>, scalar_prefetch = 0 : i64, scratch_operands = 10 : i64, tpu.core_type = #tpu.core_type<sc_vector_subcore>, window_params = [{transform_indices = #map}, {transform_indices = #map}, {transform_indices = #map1}]} {
    %mul3A = arith.constant 2 : i32
    %mul3A_0 = arith.muli %arg1, %mul3A : i32
    %add3A = arith.addi %mul3A_0, %arg0 : i32
    %mul3A_1 = arith.constant 128 : i32
    %mul3A_2 = arith.muli %add3A, %mul3A_1 : i32
    "tpu.region"() ({
      %run_scoped3A = tpu.sem_alloc : memref<!tpu.dma_semaphore, #tpu.memory_space<semaphore_mem>>
      %dma_start3A_57 = arith.constant 0 : i32
      %dma_start3A_58 = tpu.memref_slice %arg2[%mul3A_2, %dma_start3A_57] : memref<4096x100xi32, #tpu.memory_space<hbm>> -> memref<128x100xi32, #tpu.memory_space<hbm>>
      %dma_start3A_59 = arith.constant 0 : i32
      %dma_start3A_60 = tpu.memref_slice %arg2[%mul3A_2, %dma_start3A_59] : memref<4096x100xi32, #tpu.memory_space<hbm>> -> memref<128x100xi32, #tpu.memory_space<hbm>>
      tpu.enqueue_dma source(%dma_start3A_60 : memref<128x100xi32, #tpu.memory_space<hbm>>) target(%arg5 : memref<128x100xi32, #tpu.memory_space<vmem>>) target_semaphore(%run_scoped3A : memref<!tpu.dma_semaphore, #tpu.memory_space<semaphore_mem>>)
      %dma_wait3A = arith.constant 0 : i32
      %dma_wait3A_61 = tpu.memref_slice %arg2[%mul3A_2, %dma_wait3A] : memref<4096x100xi32, #tpu.memory_space<hbm>> -> memref<128x100xi32, #tpu.memory_space<hbm>>
      %dma_wait3A_62 = arith.constant 0 : i32
      %dma_wait3A_63 = tpu.memref_slice %arg2[%mul3A_2, %dma_wait3A_62] : memref<4096x100xi32, #tpu.memory_space<hbm>> -> memref<128x100xi32, #tpu.memory_space<hbm>>
      tpu.wait_dma2 semaphore(%run_scoped3A : memref<!tpu.dma_semaphore, #tpu.memory_space<semaphore_mem>>) src(%dma_wait3A_63 : memref<128x100xi32, #tpu.memory_space<hbm>>) dst(%arg5 : memref<128x100xi32, #tpu.memory_space<vmem>>)
      tpu.yield
    }) : () -> ()
    %mul3A_3 = arith.constant 128 : i32
    %mul3A_4 = arith.muli %add3A, %mul3A_3 : i32
    %dma_start3A = arith.constant 0 : i32
    %dma_start3A_5 = arith.constant 0 : i32
    %dma_start3A_6 = arith.constant 0 : i32
    %dma_start3A_7 = arith.constant 0 : i32
    %dma_start3A_8 = tpu.memref_slice %arg6[%dma_start3A_5, %dma_start3A_6, %dma_start3A_7] : memref<4x100x128xf32, #tpu.memory_space<vmem>> -> memref<1x100x128xf32, #tpu.memory_space<vmem>>
    %dma_start3A_9 = tpu.memref_squeeze %dma_start3A_8 : memref<1x100x128xf32, #tpu.memory_space<vmem>> -> memref<100x128xf32, #tpu.memory_space<vmem>>
    %dma_start3A_10 = arith.constant 0 : i32
    %dma_start3A_11 = tpu.memref_slice %arg5[%dma_start3A, %dma_start3A_10] : memref<128x100xi32, #tpu.memory_space<vmem>> -> memref<1x100xi32, #tpu.memory_space<vmem>>
    %dma_start3A_12 = tpu.memref_squeeze %dma_start3A_11 : memref<1x100xi32, #tpu.memory_space<vmem>> -> memref<100xi32, #tpu.memory_space<vmem>>
    %dma_start3A_13 = arith.constant 0 : i32
    %dma_start3A_14 = arith.constant 0 : i32
    %dma_start3A_15 = tpu.memref_slice %arg3[%dma_start3A_13, %dma_start3A_14] : memref<1000000x128xf32, #tpu.memory_space<hbm>> -> memref<1000000x128xf32, #tpu.memory_space<hbm>>
    tpu.enqueue_indirect_dma source(%dma_start3A_15 : memref<1000000x128xf32, #tpu.memory_space<hbm>>) target(%dma_start3A_9 : memref<100x128xf32, #tpu.memory_space<vmem>>) offsets(%dma_start3A_12 : memref<100xi32, #tpu.memory_space<vmem>>) semaphore(%arg7 : memref<!tpu.dma_semaphore, #tpu.memory_space<semaphore_mem>>)
    %dma_start3A_16 = arith.constant 1 : i32
    %dma_start3A_17 = arith.constant 1 : i32
    %dma_start3A_18 = arith.constant 0 : i32
    %dma_start3A_19 = arith.constant 0 : i32
    %dma_start3A_20 = tpu.memref_slice %arg6[%dma_start3A_17, %dma_start3A_18, %dma_start3A_19] : memref<4x100x128xf32, #tpu.memory_space<vmem>> -> memref<1x100x128xf32, #tpu.memory_space<vmem>>
    %dma_start3A_21 = tpu.memref_squeeze %dma_start3A_20 : memref<1x100x128xf32, #tpu.memory_space<vmem>> -> memref<100x128xf32, #tpu.memory_space<vmem>>
    %dma_start3A_22 = arith.constant 0 : i32
    %dma_start3A_23 = tpu.memref_slice %arg5[%dma_start3A_16, %dma_start3A_22] : memref<128x100xi32, #tpu.memory_space<vmem>> -> memref<1x100xi32, #tpu.memory_space<vmem>>
    %dma_start3A_24 = tpu.memref_squeeze %dma_start3A_23 : memref<1x100xi32, #tpu.memory_space<vmem>> -> memref<100xi32, #tpu.memory_space<vmem>>
    %dma_start3A_25 = arith.constant 0 : i32
    %dma_start3A_26 = arith.constant 0 : i32
    %dma_start3A_27 = tpu.memref_slice %arg3[%dma_start3A_25, %dma_start3A_26] : memref<1000000x128xf32, #tpu.memory_space<hbm>> -> memref<1000000x128xf32, #tpu.memory_space<hbm>>
    tpu.enqueue_indirect_dma source(%dma_start3A_27 : memref<1000000x128xf32, #tpu.memory_space<hbm>>) target(%dma_start3A_21 : memref<100x128xf32, #tpu.memory_space<vmem>>) offsets(%dma_start3A_24 : memref<100xi32, #tpu.memory_space<vmem>>) semaphore(%arg8 : memref<!tpu.dma_semaphore, #tpu.memory_space<semaphore_mem>>)
    %dma_start3A_28 = arith.constant 2 : i32
    %dma_start3A_29 = arith.constant 2 : i32
    %dma_start3A_30 = arith.constant 0 : i32
    %dma_start3A_31 = arith.constant 0 : i32
    %dma_start3A_32 = tpu.memref_slice %arg6[%dma_start3A_29, %dma_start3A_30, %dma_start3A_31] : memref<4x100x128xf32, #tpu.memory_space<vmem>> -> memref<1x100x128xf32, #tpu.memory_space<vmem>>
    %dma_start3A_33 = tpu.memref_squeeze %dma_start3A_32 : memref<1x100x128xf32, #tpu.memory_space<vmem>> -> memref<100x128xf32, #tpu.memory_space<vmem>>
    %dma_start3A_34 = arith.constant 0 : i32
    %dma_start3A_35 = tpu.memref_slice %arg5[%dma_start3A_28, %dma_start3A_34] : memref<128x100xi32, #tpu.memory_space<vmem>> -> memref<1x100xi32, #tpu.memory_space<vmem>>
    %dma_start3A_36 = tpu.memref_squeeze %dma_start3A_35 : memref<1x100xi32, #tpu.memory_space<vmem>> -> memref<100xi32, #tpu.memory_space<vmem>>
    %dma_start3A_37 = arith.constant 0 : i32
    %dma_start3A_38 = arith.constant 0 : i32
    %dma_start3A_39 = tpu.memref_slice %arg3[%dma_start3A_37, %dma_start3A_38] : memref<1000000x128xf32, #tpu.memory_space<hbm>> -> memref<1000000x128xf32, #tpu.memory_space<hbm>>
    tpu.enqueue_indirect_dma source(%dma_start3A_39 : memref<1000000x128xf32, #tpu.memory_space<hbm>>) target(%dma_start3A_33 : memref<100x128xf32, #tpu.memory_space<vmem>>) offsets(%dma_start3A_36 : memref<100xi32, #tpu.memory_space<vmem>>) semaphore(%arg9 : memref<!tpu.dma_semaphore, #tpu.memory_space<semaphore_mem>>)
    %dma_start3A_40 = arith.constant 3 : i32
    %dma_start3A_41 = arith.constant 3 : i32
    %dma_start3A_42 = arith.constant 0 : i32
    %dma_start3A_43 = arith.constant 0 : i32
    %dma_start3A_44 = tpu.memref_slice %arg6[%dma_start3A_41, %dma_start3A_42, %dma_start3A_43] : memref<4x100x128xf32, #tpu.memory_space<vmem>> -> memref<1x100x128xf32, #tpu.memory_space<vmem>>
    %dma_start3A_45 = tpu.memref_squeeze %dma_start3A_44 : memref<1x100x128xf32, #tpu.memory_space<vmem>> -> memref<100x128xf32, #tpu.memory_space<vmem>>
    %dma_start3A_46 = arith.constant 0 : i32
    %dma_start3A_47 = tpu.memref_slice %arg5[%dma_start3A_40, %dma_start3A_46] : memref<128x100xi32, #tpu.memory_space<vmem>> -> memref<1x100xi32, #tpu.memory_space<vmem>>
    %dma_start3A_48 = tpu.memref_squeeze %dma_start3A_47 : memref<1x100xi32, #tpu.memory_space<vmem>> -> memref<100xi32, #tpu.memory_space<vmem>>
    %dma_start3A_49 = arith.constant 0 : i32
    %dma_start3A_50 = arith.constant 0 : i32
    %dma_start3A_51 = tpu.memref_slice %arg3[%dma_start3A_49, %dma_start3A_50] : memref<1000000x128xf32, #tpu.memory_space<hbm>> -> memref<1000000x128xf32, #tpu.memory_space<hbm>>
    tpu.enqueue_indirect_dma source(%dma_start3A_51 : memref<1000000x128xf32, #tpu.memory_space<hbm>>) target(%dma_start3A_45 : memref<100x128xf32, #tpu.memory_space<vmem>>) offsets(%dma_start3A_48 : memref<100xi32, #tpu.memory_space<vmem>>) semaphore(%arg10 : memref<!tpu.dma_semaphore, #tpu.memory_space<semaphore_mem>>)
    %scan3A = arith.constant 0 : i32
    %scan3A_52 = arith.constant 0 : i32
    %scan3A_53 = arith.constant 32 : i32
    %scan3A_54 = arith.addi %scan3A_52, %scan3A_53 : i32
    %scan3A_55 = arith.constant 1 : i32
    scf.for %scan3A_57 = %scan3A_52 to %scan3A_54 step %scan3A_55  : i32 {
      %mul3A_58 = arith.constant 4 : i32
      %mul3A_59 = arith.muli %scan3A_57, %mul3A_58 : i32
      %dma_wait3A = arith.constant 0 : i32
      %dma_wait3A_60 = arith.constant 0 : i32
      %dma_wait3A_61 = arith.constant 0 : i32
      %dma_wait3A_62 = arith.constant 0 : i32
      %dma_wait3A_63 = tpu.memref_slice %arg6[%dma_wait3A_60, %dma_wait3A_61, %dma_wait3A_62] : memref<4x100x128xf32, #tpu.memory_space<vmem>> -> memref<1x100x128xf32, #tpu.memory_space<vmem>>
      %dma_wait3A_64 = tpu.memref_squeeze %dma_wait3A_63 : memref<1x100x128xf32, #tpu.memory_space<vmem>> -> memref<100x128xf32, #tpu.memory_space<vmem>>
      %dma_wait3A_65 = arith.constant 0 : i32
      %dma_wait3A_66 = tpu.memref_slice %arg5[%dma_wait3A, %dma_wait3A_65] : memref<128x100xi32, #tpu.memory_space<vmem>> -> memref<1x100xi32, #tpu.memory_space<vmem>>
      %dma_wait3A_67 = tpu.memref_squeeze %dma_wait3A_66 : memref<1x100xi32, #tpu.memory_space<vmem>> -> memref<100xi32, #tpu.memory_space<vmem>>
      %dma_wait3A_68 = arith.constant 0 : i32
      %dma_wait3A_69 = arith.constant 0 : i32
      %dma_wait3A_70 = tpu.memref_slice %arg3[%dma_wait3A_68, %dma_wait3A_69] : memref<1000000x128xf32, #tpu.memory_space<hbm>> -> memref<1000000x128xf32, #tpu.memory_space<hbm>>
      tpu.wait_indirect_dma semaphore(%arg7 : memref<!tpu.dma_semaphore, #tpu.memory_space<semaphore_mem>>) src(%dma_wait3A_70 : memref<1000000x128xf32, #tpu.memory_space<hbm>>) dst(%dma_wait3A_64 : memref<100x128xf32, #tpu.memory_space<vmem>>)
      %add3A_71 = arith.addi %mul3A_4, %mul3A_59 : i32
      %add3A_72 = arith.constant 0 : i32
      %add3A_73 = arith.addi %add3A_71, %add3A_72 : i32
      %dma_start3A_74 = arith.constant 0 : i32
      %dma_start3A_75 = arith.constant 0 : i32
      %dma_start3A_76 = arith.constant 0 : i32
      %dma_start3A_77 = tpu.memref_slice %arg6[%dma_start3A_74, %dma_start3A_75, %dma_start3A_76] : memref<4x100x128xf32, #tpu.memory_space<vmem>> -> memref<1x100x64xf32, #tpu.memory_space<vmem>>
      %dma_start3A_78 = tpu.memref_squeeze %dma_start3A_77 : memref<1x100x64xf32, #tpu.memory_space<vmem>> -> memref<100x64xf32, #tpu.memory_space<vmem>>
      %dma_start3A_79 = arith.constant 0 : i32
      %dma_start3A_80 = arith.constant 0 : i32
      %dma_start3A_81 = tpu.memref_slice %arg4[%add3A_73, %dma_start3A_79, %dma_start3A_80] : memref<4096x100x64xf32, #tpu.memory_space<hbm>> -> memref<1x100x64xf32, #tpu.memory_space<hbm>>
      %dma_start3A_82 = tpu.memref_squeeze %dma_start3A_81 : memref<1x100x64xf32, #tpu.memory_space<hbm>> -> memref<100x64xf32, #tpu.memory_space<hbm>>
      %dma_start3A_83 = arith.constant 0 : i32
      %dma_start3A_84 = arith.constant 0 : i32
      %dma_start3A_85 = tpu.memref_slice %arg4[%add3A_73, %dma_start3A_83, %dma_start3A_84] : memref<4096x100x64xf32, #tpu.memory_space<hbm>> -> memref<1x100x64xf32, #tpu.memory_space<hbm>>
      %dma_start3A_86 = tpu.memref_squeeze %dma_start3A_85 : memref<1x100x64xf32, #tpu.memory_space<hbm>> -> memref<100x64xf32, #tpu.memory_space<hbm>>
      %dma_start3A_87 = arith.constant 0 : i32
      %dma_start3A_88 = arith.constant 0 : i32
      %dma_start3A_89 = tpu.memref_slice %arg6[%dma_start3A_74, %dma_start3A_87, %dma_start3A_88] : memref<4x100x128xf32, #tpu.memory_space<vmem>> -> memref<1x100x64xf32, #tpu.memory_space<vmem>>
      %dma_start3A_90 = tpu.memref_squeeze %dma_start3A_89 : memref<1x100x64xf32, #tpu.memory_space<vmem>> -> memref<100x64xf32, #tpu.memory_space<vmem>>
      tpu.enqueue_dma source(%dma_start3A_90 : memref<100x64xf32, #tpu.memory_space<vmem>>) target(%dma_start3A_86 : memref<100x64xf32, #tpu.memory_space<hbm>>) target_semaphore(%arg11 : memref<!tpu.dma_semaphore, #tpu.memory_space<semaphore_mem>>)
      %dma_wait3A_91 = arith.constant 0 : i32
      %dma_wait3A_92 = arith.constant 1 : i32
      %dma_wait3A_93 = arith.constant 0 : i32
      %dma_wait3A_94 = arith.constant 0 : i32
      %dma_wait3A_95 = tpu.memref_slice %arg6[%dma_wait3A_92, %dma_wait3A_93, %dma_wait3A_94] : memref<4x100x128xf32, #tpu.memory_space<vmem>> -> memref<1x100x128xf32, #tpu.memory_space<vmem>>
      %dma_wait3A_96 = tpu.memref_squeeze %dma_wait3A_95 : memref<1x100x128xf32, #tpu.memory_space<vmem>> -> memref<100x128xf32, #tpu.memory_space<vmem>>
      %dma_wait3A_97 = arith.constant 0 : i32
      %dma_wait3A_98 = tpu.memref_slice %arg5[%dma_wait3A_91, %dma_wait3A_97] : memref<128x100xi32, #tpu.memory_space<vmem>> -> memref<1x100xi32, #tpu.memory_space<vmem>>
      %dma_wait3A_99 = tpu.memref_squeeze %dma_wait3A_98 : memref<1x100xi32, #tpu.memory_space<vmem>> -> memref<100xi32, #tpu.memory_space<vmem>>
      %dma_wait3A_100 = arith.constant 0 : i32
      %dma_wait3A_101 = arith.constant 0 : i32
      %dma_wait3A_102 = tpu.memref_slice %arg3[%dma_wait3A_100, %dma_wait3A_101] : memref<1000000x128xf32, #tpu.memory_space<hbm>> -> memref<1000000x128xf32, #tpu.memory_space<hbm>>
      tpu.wait_indirect_dma semaphore(%arg8 : memref<!tpu.dma_semaphore, #tpu.memory_space<semaphore_mem>>) src(%dma_wait3A_102 : memref<1000000x128xf32, #tpu.memory_space<hbm>>) dst(%dma_wait3A_96 : memref<100x128xf32, #tpu.memory_space<vmem>>)
      %add3A_103 = arith.addi %mul3A_4, %mul3A_59 : i32
      %add3A_104 = arith.constant 1 : i32
      %add3A_105 = arith.addi %add3A_103, %add3A_104 : i32
      %dma_start3A_106 = arith.constant 1 : i32
      %dma_start3A_107 = arith.constant 0 : i32
      %dma_start3A_108 = arith.constant 0 : i32
      %dma_start3A_109 = tpu.memref_slice %arg6[%dma_start3A_106, %dma_start3A_107, %dma_start3A_108] : memref<4x100x128xf32, #tpu.memory_space<vmem>> -> memref<1x100x64xf32, #tpu.memory_space<vmem>>
      %dma_start3A_110 = tpu.memref_squeeze %dma_start3A_109 : memref<1x100x64xf32, #tpu.memory_space<vmem>> -> memref<100x64xf32, #tpu.memory_space<vmem>>
      %dma_start3A_111 = arith.constant 0 : i32
      %dma_start3A_112 = arith.constant 0 : i32
      %dma_start3A_113 = tpu.memref_slice %arg4[%add3A_105, %dma_start3A_111, %dma_start3A_112] : memref<4096x100x64xf32, #tpu.memory_space<hbm>> -> memref<1x100x64xf32, #tpu.memory_space<hbm>>
      %dma_start3A_114 = tpu.memref_squeeze %dma_start3A_113 : memref<1x100x64xf32, #tpu.memory_space<hbm>> -> memref<100x64xf32, #tpu.memory_space<hbm>>
      %dma_start3A_115 = arith.constant 0 : i32
      %dma_start3A_116 = arith.constant 0 : i32
      %dma_start3A_117 = tpu.memref_slice %arg4[%add3A_105, %dma_start3A_115, %dma_start3A_116] : memref<4096x100x64xf32, #tpu.memory_space<hbm>> -> memref<1x100x64xf32, #tpu.memory_space<hbm>>
      %dma_start3A_118 = tpu.memref_squeeze %dma_start3A_117 : memref<1x100x64xf32, #tpu.memory_space<hbm>> -> memref<100x64xf32, #tpu.memory_space<hbm>>
      %dma_start3A_119 = arith.constant 0 : i32
      %dma_start3A_120 = arith.constant 0 : i32
      %dma_start3A_121 = tpu.memref_slice %arg6[%dma_start3A_106, %dma_start3A_119, %dma_start3A_120] : memref<4x100x128xf32, #tpu.memory_space<vmem>> -> memref<1x100x64xf32, #tpu.memory_space<vmem>>
      %dma_start3A_122 = tpu.memref_squeeze %dma_start3A_121 : memref<1x100x64xf32, #tpu.memory_space<vmem>> -> memref<100x64xf32, #tpu.memory_space<vmem>>
      tpu.enqueue_dma source(%dma_start3A_122 : memref<100x64xf32, #tpu.memory_space<vmem>>) target(%dma_start3A_118 : memref<100x64xf32, #tpu.memory_space<hbm>>) target_semaphore(%arg12 : memref<!tpu.dma_semaphore, #tpu.memory_space<semaphore_mem>>)
      %dma_wait3A_123 = arith.constant 0 : i32
      %dma_wait3A_124 = arith.constant 2 : i32
      %dma_wait3A_125 = arith.constant 0 : i32
      %dma_wait3A_126 = arith.constant 0 : i32
      %dma_wait3A_127 = tpu.memref_slice %arg6[%dma_wait3A_124, %dma_wait3A_125, %dma_wait3A_126] : memref<4x100x128xf32, #tpu.memory_space<vmem>> -> memref<1x100x128xf32, #tpu.memory_space<vmem>>
      %dma_wait3A_128 = tpu.memref_squeeze %dma_wait3A_127 : memref<1x100x128xf32, #tpu.memory_space<vmem>> -> memref<100x128xf32, #tpu.memory_space<vmem>>
      %dma_wait3A_129 = arith.constant 0 : i32
      %dma_wait3A_130 = tpu.memref_slice %arg5[%dma_wait3A_123, %dma_wait3A_129] : memref<128x100xi32, #tpu.memory_space<vmem>> -> memref<1x100xi32, #tpu.memory_space<vmem>>
      %dma_wait3A_131 = tpu.memref_squeeze %dma_wait3A_130 : memref<1x100xi32, #tpu.memory_space<vmem>> -> memref<100xi32, #tpu.memory_space<vmem>>
      %dma_wait3A_132 = arith.constant 0 : i32
      %dma_wait3A_133 = arith.constant 0 : i32
      %dma_wait3A_134 = tpu.memref_slice %arg3[%dma_wait3A_132, %dma_wait3A_133] : memref<1000000x128xf32, #tpu.memory_space<hbm>> -> memref<1000000x128xf32, #tpu.memory_space<hbm>>
      tpu.wait_indirect_dma semaphore(%arg9 : memref<!tpu.dma_semaphore, #tpu.memory_space<semaphore_mem>>) src(%dma_wait3A_134 : memref<1000000x128xf32, #tpu.memory_space<hbm>>) dst(%dma_wait3A_128 : memref<100x128xf32, #tpu.memory_space<vmem>>)
      %add3A_135 = arith.addi %mul3A_4, %mul3A_59 : i32
      %add3A_136 = arith.constant 2 : i32
      %add3A_137 = arith.addi %add3A_135, %add3A_136 : i32
      %dma_start3A_138 = arith.constant 2 : i32
      %dma_start3A_139 = arith.constant 0 : i32
      %dma_start3A_140 = arith.constant 0 : i32
      %dma_start3A_141 = tpu.memref_slice %arg6[%dma_start3A_138, %dma_start3A_139, %dma_start3A_140] : memref<4x100x128xf32, #tpu.memory_space<vmem>> -> memref<1x100x64xf32, #tpu.memory_space<vmem>>
      %dma_start3A_142 = tpu.memref_squeeze %dma_start3A_141 : memref<1x100x64xf32, #tpu.memory_space<vmem>> -> memref<100x64xf32, #tpu.memory_space<vmem>>
      %dma_start3A_143 = arith.constant 0 : i32
      %dma_start3A_144 = arith.constant 0 : i32
      %dma_start3A_145 = tpu.memref_slice %arg4[%add3A_137, %dma_start3A_143, %dma_start3A_144] : memref<4096x100x64xf32, #tpu.memory_space<hbm>> -> memref<1x100x64xf32, #tpu.memory_space<hbm>>
      %dma_start3A_146 = tpu.memref_squeeze %dma_start3A_145 : memref<1x100x64xf32, #tpu.memory_space<hbm>> -> memref<100x64xf32, #tpu.memory_space<hbm>>
      %dma_start3A_147 = arith.constant 0 : i32
      %dma_start3A_148 = arith.constant 0 : i32
      %dma_start3A_149 = tpu.memref_slice %arg4[%add3A_137, %dma_start3A_147, %dma_start3A_148] : memref<4096x100x64xf32, #tpu.memory_space<hbm>> -> memref<1x100x64xf32, #tpu.memory_space<hbm>>
      %dma_start3A_150 = tpu.memref_squeeze %dma_start3A_149 : memref<1x100x64xf32, #tpu.memory_space<hbm>> -> memref<100x64xf32, #tpu.memory_space<hbm>>
      %dma_start3A_151 = arith.constant 0 : i32
      %dma_start3A_152 = arith.constant 0 : i32
      %dma_start3A_153 = tpu.memref_slice %arg6[%dma_start3A_138, %dma_start3A_151, %dma_start3A_152] : memref<4x100x128xf32, #tpu.memory_space<vmem>> -> memref<1x100x64xf32, #tpu.memory_space<vmem>>
      %dma_start3A_154 = tpu.memref_squeeze %dma_start3A_153 : memref<1x100x64xf32, #tpu.memory_space<vmem>> -> memref<100x64xf32, #tpu.memory_space<vmem>>
      tpu.enqueue_dma source(%dma_start3A_154 : memref<100x64xf32, #tpu.memory_space<vmem>>) target(%dma_start3A_150 : memref<100x64xf32, #tpu.memory_space<hbm>>) target_semaphore(%arg13 : memref<!tpu.dma_semaphore, #tpu.memory_space<semaphore_mem>>)
      %dma_wait3A_155 = arith.constant 0 : i32
      %dma_wait3A_156 = arith.constant 3 : i32
      %dma_wait3A_157 = arith.constant 0 : i32
      %dma_wait3A_158 = arith.constant 0 : i32
      %dma_wait3A_159 = tpu.memref_slice %arg6[%dma_wait3A_156, %dma_wait3A_157, %dma_wait3A_158] : memref<4x100x128xf32, #tpu.memory_space<vmem>> -> memref<1x100x128xf32, #tpu.memory_space<vmem>>
      %dma_wait3A_160 = tpu.memref_squeeze %dma_wait3A_159 : memref<1x100x128xf32, #tpu.memory_space<vmem>> -> memref<100x128xf32, #tpu.memory_space<vmem>>
      %dma_wait3A_161 = arith.constant 0 : i32
      %dma_wait3A_162 = tpu.memref_slice %arg5[%dma_wait3A_155, %dma_wait3A_161] : memref<128x100xi32, #tpu.memory_space<vmem>> -> memref<1x100xi32, #tpu.memory_space<vmem>>
      %dma_wait3A_163 = tpu.memref_squeeze %dma_wait3A_162 : memref<1x100xi32, #tpu.memory_space<vmem>> -> memref<100xi32, #tpu.memory_space<vmem>>
      %dma_wait3A_164 = arith.constant 0 : i32
      %dma_wait3A_165 = arith.constant 0 : i32
      %dma_wait3A_166 = tpu.memref_slice %arg3[%dma_wait3A_164, %dma_wait3A_165] : memref<1000000x128xf32, #tpu.memory_space<hbm>> -> memref<1000000x128xf32, #tpu.memory_space<hbm>>
      tpu.wait_indirect_dma semaphore(%arg10 : memref<!tpu.dma_semaphore, #tpu.memory_space<semaphore_mem>>) src(%dma_wait3A_166 : memref<1000000x128xf32, #tpu.memory_space<hbm>>) dst(%dma_wait3A_160 : memref<100x128xf32, #tpu.memory_space<vmem>>)
      %add3A_167 = arith.addi %mul3A_4, %mul3A_59 : i32
      %add3A_168 = arith.constant 3 : i32
      %add3A_169 = arith.addi %add3A_167, %add3A_168 : i32
      %dma_start3A_170 = arith.constant 3 : i32
      %dma_start3A_171 = arith.constant 0 : i32
      %dma_start3A_172 = arith.constant 0 : i32
      %dma_start3A_173 = tpu.memref_slice %arg6[%dma_start3A_170, %dma_start3A_171, %dma_start3A_172] : memref<4x100x128xf32, #tpu.memory_space<vmem>> -> memref<1x100x64xf32, #tpu.memory_space<vmem>>
      %dma_start3A_174 = tpu.memref_squeeze %dma_start3A_173 : memref<1x100x64xf32, #tpu.memory_space<vmem>> -> memref<100x64xf32, #tpu.memory_space<vmem>>
      %dma_start3A_175 = arith.constant 0 : i32
      %dma_start3A_176 = arith.constant 0 : i32
      %dma_start3A_177 = tpu.memref_slice %arg4[%add3A_169, %dma_start3A_175, %dma_start3A_176] : memref<4096x100x64xf32, #tpu.memory_space<hbm>> -> memref<1x100x64xf32, #tpu.memory_space<hbm>>
      %dma_start3A_178 = tpu.memref_squeeze %dma_start3A_177 : memref<1x100x64xf32, #tpu.memory_space<hbm>> -> memref<100x64xf32, #tpu.memory_space<hbm>>
      %dma_start3A_179 = arith.constant 0 : i32
      %dma_start3A_180 = arith.constant 0 : i32
      %dma_start3A_181 = tpu.memref_slice %arg4[%add3A_169, %dma_start3A_179, %dma_start3A_180] : memref<4096x100x64xf32, #tpu.memory_space<hbm>> -> memref<1x100x64xf32, #tpu.memory_space<hbm>>
      %dma_start3A_182 = tpu.memref_squeeze %dma_start3A_181 : memref<1x100x64xf32, #tpu.memory_space<hbm>> -> memref<100x64xf32, #tpu.memory_space<hbm>>
      %dma_start3A_183 = arith.constant 0 : i32
      %dma_start3A_184 = arith.constant 0 : i32
      %dma_start3A_185 = tpu.memref_slice %arg6[%dma_start3A_170, %dma_start3A_183, %dma_start3A_184] : memref<4x100x128xf32, #tpu.memory_space<vmem>> -> memref<1x100x64xf32, #tpu.memory_space<vmem>>
      %dma_start3A_186 = tpu.memref_squeeze %dma_start3A_185 : memref<1x100x64xf32, #tpu.memory_space<vmem>> -> memref<100x64xf32, #tpu.memory_space<vmem>>
      tpu.enqueue_dma source(%dma_start3A_186 : memref<100x64xf32, #tpu.memory_space<vmem>>) target(%dma_start3A_182 : memref<100x64xf32, #tpu.memory_space<hbm>>) target_semaphore(%arg14 : memref<!tpu.dma_semaphore, #tpu.memory_space<semaphore_mem>>)
      %dma_wait3A_187 = arith.constant 0 : i32
      %dma_wait3A_188 = arith.constant 0 : i32
      %dma_wait3A_189 = arith.constant 0 : i32
      %dma_wait3A_190 = arith.constant 0 : i32
      %dma_wait3A_191 = tpu.memref_slice %arg6[%dma_wait3A_187, %dma_wait3A_189, %dma_wait3A_190] : memref<4x100x128xf32, #tpu.memory_space<vmem>> -> memref<1x100x64xf32, #tpu.memory_space<vmem>>
      %dma_wait3A_192 = tpu.memref_squeeze %dma_wait3A_191 : memref<1x100x64xf32, #tpu.memory_space<vmem>> -> memref<100x64xf32, #tpu.memory_space<vmem>>
      %dma_wait3A_193 = arith.constant 0 : i32
      %dma_wait3A_194 = arith.constant 0 : i32
      %dma_wait3A_195 = tpu.memref_slice %arg4[%dma_wait3A_188, %dma_wait3A_193, %dma_wait3A_194] : memref<4096x100x64xf32, #tpu.memory_space<hbm>> -> memref<1x100x64xf32, #tpu.memory_space<hbm>>
      %dma_wait3A_196 = tpu.memref_squeeze %dma_wait3A_195 : memref<1x100x64xf32, #tpu.memory_space<hbm>> -> memref<100x64xf32, #tpu.memory_space<hbm>>
      %dma_wait3A_197 = arith.constant 0 : i32
      %dma_wait3A_198 = arith.constant 0 : i32
      %dma_wait3A_199 = tpu.memref_slice %arg4[%dma_wait3A_188, %dma_wait3A_197, %dma_wait3A_198] : memref<4096x100x64xf32, #tpu.memory_space<hbm>> -> memref<1x100x64xf32, #tpu.memory_space<hbm>>
      %dma_wait3A_200 = tpu.memref_squeeze %dma_wait3A_199 : memref<1x100x64xf32, #tpu.memory_space<hbm>> -> memref<100x64xf32, #tpu.memory_space<hbm>>
      %dma_wait3A_201 = arith.constant 0 : i32
      %dma_wait3A_202 = arith.constant 0 : i32
      %dma_wait3A_203 = tpu.memref_slice %arg6[%dma_wait3A_187, %dma_wait3A_201, %dma_wait3A_202] : memref<4x100x128xf32, #tpu.memory_space<vmem>> -> memref<1x100x64xf32, #tpu.memory_space<vmem>>
      %dma_wait3A_204 = tpu.memref_squeeze %dma_wait3A_203 : memref<1x100x64xf32, #tpu.memory_space<vmem>> -> memref<100x64xf32, #tpu.memory_space<vmem>>
      tpu.wait_dma2 semaphore(%arg11 : memref<!tpu.dma_semaphore, #tpu.memory_space<semaphore_mem>>) src(%dma_wait3A_204 : memref<100x64xf32, #tpu.memory_space<vmem>>) dst(%dma_wait3A_200 : memref<100x64xf32, #tpu.memory_space<hbm>>)
      %add3A_205 = arith.constant 0 : i32
      %add3A_206 = arith.addi %mul3A_59, %add3A_205 : i32
      %add3A_207 = arith.constant 4 : i32
      %add3A_208 = arith.addi %add3A_206, %add3A_207 : i32
      %lt3A = arith.constant 128 : i32
      %lt3A_209 = arith.cmpi slt, %add3A_208, %lt3A : i32
      %convert_element_type3A = arith.extui %lt3A_209 : i1 to i32
      %cond3A = arith.constant 0 : i32
      %cond3A_210 = arith.cmpi ne, %convert_element_type3A, %cond3A : i32
      scf.if %cond3A_210 {
        %dma_start3A_292 = arith.constant 0 : i32
        %dma_start3A_293 = arith.constant 0 : i32
        %dma_start3A_294 = arith.constant 0 : i32
        %dma_start3A_295 = tpu.memref_slice %arg6[%dma_start3A_292, %dma_start3A_293, %dma_start3A_294] : memref<4x100x128xf32, #tpu.memory_space<vmem>> -> memref<1x100x128xf32, #tpu.memory_space<vmem>>
        %dma_start3A_296 = tpu.memref_squeeze %dma_start3A_295 : memref<1x100x128xf32, #tpu.memory_space<vmem>> -> memref<100x128xf32, #tpu.memory_space<vmem>>
        %dma_start3A_297 = arith.constant 0 : i32
        %dma_start3A_298 = tpu.memref_slice %arg5[%add3A_208, %dma_start3A_297] : memref<128x100xi32, #tpu.memory_space<vmem>> -> memref<1x100xi32, #tpu.memory_space<vmem>>
        %dma_start3A_299 = tpu.memref_squeeze %dma_start3A_298 : memref<1x100xi32, #tpu.memory_space<vmem>> -> memref<100xi32, #tpu.memory_space<vmem>>
        %dma_start3A_300 = arith.constant 0 : i32
        %dma_start3A_301 = arith.constant 0 : i32
        %dma_start3A_302 = tpu.memref_slice %arg3[%dma_start3A_300, %dma_start3A_301] : memref<1000000x128xf32, #tpu.memory_space<hbm>> -> memref<1000000x128xf32, #tpu.memory_space<hbm>>
        tpu.enqueue_indirect_dma source(%dma_start3A_302 : memref<1000000x128xf32, #tpu.memory_space<hbm>>) target(%dma_start3A_296 : memref<100x128xf32, #tpu.memory_space<vmem>>) offsets(%dma_start3A_299 : memref<100xi32, #tpu.memory_space<vmem>>) semaphore(%arg7 : memref<!tpu.dma_semaphore, #tpu.memory_space<semaphore_mem>>)
      } else {
      }
      %dma_wait3A_211 = arith.constant 1 : i32
      %dma_wait3A_212 = arith.constant 0 : i32
      %dma_wait3A_213 = arith.constant 0 : i32
      %dma_wait3A_214 = arith.constant 0 : i32
      %dma_wait3A_215 = tpu.memref_slice %arg6[%dma_wait3A_211, %dma_wait3A_213, %dma_wait3A_214] : memref<4x100x128xf32, #tpu.memory_space<vmem>> -> memref<1x100x64xf32, #tpu.memory_space<vmem>>
      %dma_wait3A_216 = tpu.memref_squeeze %dma_wait3A_215 : memref<1x100x64xf32, #tpu.memory_space<vmem>> -> memref<100x64xf32, #tpu.memory_space<vmem>>
      %dma_wait3A_217 = arith.constant 0 : i32
      %dma_wait3A_218 = arith.constant 0 : i32
      %dma_wait3A_219 = tpu.memref_slice %arg4[%dma_wait3A_212, %dma_wait3A_217, %dma_wait3A_218] : memref<4096x100x64xf32, #tpu.memory_space<hbm>> -> memref<1x100x64xf32, #tpu.memory_space<hbm>>
      %dma_wait3A_220 = tpu.memref_squeeze %dma_wait3A_219 : memref<1x100x64xf32, #tpu.memory_space<hbm>> -> memref<100x64xf32, #tpu.memory_space<hbm>>
      %dma_wait3A_221 = arith.constant 0 : i32
      %dma_wait3A_222 = arith.constant 0 : i32
      %dma_wait3A_223 = tpu.memref_slice %arg4[%dma_wait3A_212, %dma_wait3A_221, %dma_wait3A_222] : memref<4096x100x64xf32, #tpu.memory_space<hbm>> -> memref<1x100x64xf32, #tpu.memory_space<hbm>>
      %dma_wait3A_224 = tpu.memref_squeeze %dma_wait3A_223 : memref<1x100x64xf32, #tpu.memory_space<hbm>> -> memref<100x64xf32, #tpu.memory_space<hbm>>
      %dma_wait3A_225 = arith.constant 0 : i32
      %dma_wait3A_226 = arith.constant 0 : i32
      %dma_wait3A_227 = tpu.memref_slice %arg6[%dma_wait3A_211, %dma_wait3A_225, %dma_wait3A_226] : memref<4x100x128xf32, #tpu.memory_space<vmem>> -> memref<1x100x64xf32, #tpu.memory_space<vmem>>
      %dma_wait3A_228 = tpu.memref_squeeze %dma_wait3A_227 : memref<1x100x64xf32, #tpu.memory_space<vmem>> -> memref<100x64xf32, #tpu.memory_space<vmem>>
      tpu.wait_dma2 semaphore(%arg12 : memref<!tpu.dma_semaphore, #tpu.memory_space<semaphore_mem>>) src(%dma_wait3A_228 : memref<100x64xf32, #tpu.memory_space<vmem>>) dst(%dma_wait3A_224 : memref<100x64xf32, #tpu.memory_space<hbm>>)
      %add3A_229 = arith.constant 1 : i32
      %add3A_230 = arith.addi %mul3A_59, %add3A_229 : i32
      %add3A_231 = arith.constant 4 : i32
      %add3A_232 = arith.addi %add3A_230, %add3A_231 : i32
      %lt3A_233 = arith.constant 128 : i32
      %lt3A_234 = arith.cmpi slt, %add3A_232, %lt3A_233 : i32
      %convert_element_type3A_235 = arith.extui %lt3A_234 : i1 to i32
      %cond3A_236 = arith.constant 0 : i32
      %cond3A_237 = arith.cmpi ne, %convert_element_type3A_235, %cond3A_236 : i32
      scf.if %cond3A_237 {
        %dma_start3A_292 = arith.constant 1 : i32
        %dma_start3A_293 = arith.constant 0 : i32
        %dma_start3A_294 = arith.constant 0 : i32
        %dma_start3A_295 = tpu.memref_slice %arg6[%dma_start3A_292, %dma_start3A_293, %dma_start3A_294] : memref<4x100x128xf32, #tpu.memory_space<vmem>> -> memref<1x100x128xf32, #tpu.memory_space<vmem>>
        %dma_start3A_296 = tpu.memref_squeeze %dma_start3A_295 : memref<1x100x128xf32, #tpu.memory_space<vmem>> -> memref<100x128xf32, #tpu.memory_space<vmem>>
        %dma_start3A_297 = arith.constant 0 : i32
        %dma_start3A_298 = tpu.memref_slice %arg5[%add3A_232, %dma_start3A_297] : memref<128x100xi32, #tpu.memory_space<vmem>> -> memref<1x100xi32, #tpu.memory_space<vmem>>
        %dma_start3A_299 = tpu.memref_squeeze %dma_start3A_298 : memref<1x100xi32, #tpu.memory_space<vmem>> -> memref<100xi32, #tpu.memory_space<vmem>>
        %dma_start3A_300 = arith.constant 0 : i32
        %dma_start3A_301 = arith.constant 0 : i32
        %dma_start3A_302 = tpu.memref_slice %arg3[%dma_start3A_300, %dma_start3A_301] : memref<1000000x128xf32, #tpu.memory_space<hbm>> -> memref<1000000x128xf32, #tpu.memory_space<hbm>>
        tpu.enqueue_indirect_dma source(%dma_start3A_302 : memref<1000000x128xf32, #tpu.memory_space<hbm>>) target(%dma_start3A_296 : memref<100x128xf32, #tpu.memory_space<vmem>>) offsets(%dma_start3A_299 : memref<100xi32, #tpu.memory_space<vmem>>) semaphore(%arg8 : memref<!tpu.dma_semaphore, #tpu.memory_space<semaphore_mem>>)
      } else {
      }
      %dma_wait3A_238 = arith.constant 2 : i32
      %dma_wait3A_239 = arith.constant 0 : i32
      %dma_wait3A_240 = arith.constant 0 : i32
      %dma_wait3A_241 = arith.constant 0 : i32
      %dma_wait3A_242 = tpu.memref_slice %arg6[%dma_wait3A_238, %dma_wait3A_240, %dma_wait3A_241] : memref<4x100x128xf32, #tpu.memory_space<vmem>> -> memref<1x100x64xf32, #tpu.memory_space<vmem>>
      %dma_wait3A_243 = tpu.memref_squeeze %dma_wait3A_242 : memref<1x100x64xf32, #tpu.memory_space<vmem>> -> memref<100x64xf32, #tpu.memory_space<vmem>>
      %dma_wait3A_244 = arith.constant 0 : i32
      %dma_wait3A_245 = arith.constant 0 : i32
      %dma_wait3A_246 = tpu.memref_slice %arg4[%dma_wait3A_239, %dma_wait3A_244, %dma_wait3A_245] : memref<4096x100x64xf32, #tpu.memory_space<hbm>> -> memref<1x100x64xf32, #tpu.memory_space<hbm>>
      %dma_wait3A_247 = tpu.memref_squeeze %dma_wait3A_246 : memref<1x100x64xf32, #tpu.memory_space<hbm>> -> memref<100x64xf32, #tpu.memory_space<hbm>>
      %dma_wait3A_248 = arith.constant 0 : i32
      %dma_wait3A_249 = arith.constant 0 : i32
      %dma_wait3A_250 = tpu.memref_slice %arg4[%dma_wait3A_239, %dma_wait3A_248, %dma_wait3A_249] : memref<4096x100x64xf32, #tpu.memory_space<hbm>> -> memref<1x100x64xf32, #tpu.memory_space<hbm>>
      %dma_wait3A_251 = tpu.memref_squeeze %dma_wait3A_250 : memref<1x100x64xf32, #tpu.memory_space<hbm>> -> memref<100x64xf32, #tpu.memory_space<hbm>>
      %dma_wait3A_252 = arith.constant 0 : i32
      %dma_wait3A_253 = arith.constant 0 : i32
      %dma_wait3A_254 = tpu.memref_slice %arg6[%dma_wait3A_238, %dma_wait3A_252, %dma_wait3A_253] : memref<4x100x128xf32, #tpu.memory_space<vmem>> -> memref<1x100x64xf32, #tpu.memory_space<vmem>>
      %dma_wait3A_255 = tpu.memref_squeeze %dma_wait3A_254 : memref<1x100x64xf32, #tpu.memory_space<vmem>> -> memref<100x64xf32, #tpu.memory_space<vmem>>
      tpu.wait_dma2 semaphore(%arg13 : memref<!tpu.dma_semaphore, #tpu.memory_space<semaphore_mem>>) src(%dma_wait3A_255 : memref<100x64xf32, #tpu.memory_space<vmem>>) dst(%dma_wait3A_251 : memref<100x64xf32, #tpu.memory_space<hbm>>)
      %add3A_256 = arith.constant 2 : i32
      %add3A_257 = arith.addi %mul3A_59, %add3A_256 : i32
      %add3A_258 = arith.constant 4 : i32
      %add3A_259 = arith.addi %add3A_257, %add3A_258 : i32
      %lt3A_260 = arith.constant 128 : i32
      %lt3A_261 = arith.cmpi slt, %add3A_259, %lt3A_260 : i32
      %convert_element_type3A_262 = arith.extui %lt3A_261 : i1 to i32
      %cond3A_263 = arith.constant 0 : i32
      %cond3A_264 = arith.cmpi ne, %convert_element_type3A_262, %cond3A_263 : i32
      scf.if %cond3A_264 {
        %dma_start3A_292 = arith.constant 2 : i32
        %dma_start3A_293 = arith.constant 0 : i32
        %dma_start3A_294 = arith.constant 0 : i32
        %dma_start3A_295 = tpu.memref_slice %arg6[%dma_start3A_292, %dma_start3A_293, %dma_start3A_294] : memref<4x100x128xf32, #tpu.memory_space<vmem>> -> memref<1x100x128xf32, #tpu.memory_space<vmem>>
        %dma_start3A_296 = tpu.memref_squeeze %dma_start3A_295 : memref<1x100x128xf32, #tpu.memory_space<vmem>> -> memref<100x128xf32, #tpu.memory_space<vmem>>
        %dma_start3A_297 = arith.constant 0 : i32
        %dma_start3A_298 = tpu.memref_slice %arg5[%add3A_259, %dma_start3A_297] : memref<128x100xi32, #tpu.memory_space<vmem>> -> memref<1x100xi32, #tpu.memory_space<vmem>>
        %dma_start3A_299 = tpu.memref_squeeze %dma_start3A_298 : memref<1x100xi32, #tpu.memory_space<vmem>> -> memref<100xi32, #tpu.memory_space<vmem>>
        %dma_start3A_300 = arith.constant 0 : i32
        %dma_start3A_301 = arith.constant 0 : i32
        %dma_start3A_302 = tpu.memref_slice %arg3[%dma_start3A_300, %dma_start3A_301] : memref<1000000x128xf32, #tpu.memory_space<hbm>> -> memref<1000000x128xf32, #tpu.memory_space<hbm>>
        tpu.enqueue_indirect_dma source(%dma_start3A_302 : memref<1000000x128xf32, #tpu.memory_space<hbm>>) target(%dma_start3A_296 : memref<100x128xf32, #tpu.memory_space<vmem>>) offsets(%dma_start3A_299 : memref<100xi32, #tpu.memory_space<vmem>>) semaphore(%arg9 : memref<!tpu.dma_semaphore, #tpu.memory_space<semaphore_mem>>)
      } else {
      }
      %dma_wait3A_265 = arith.constant 3 : i32
      %dma_wait3A_266 = arith.constant 0 : i32
      %dma_wait3A_267 = arith.constant 0 : i32
      %dma_wait3A_268 = arith.constant 0 : i32
      %dma_wait3A_269 = tpu.memref_slice %arg6[%dma_wait3A_265, %dma_wait3A_267, %dma_wait3A_268] : memref<4x100x128xf32, #tpu.memory_space<vmem>> -> memref<1x100x64xf32, #tpu.memory_space<vmem>>
      %dma_wait3A_270 = tpu.memref_squeeze %dma_wait3A_269 : memref<1x100x64xf32, #tpu.memory_space<vmem>> -> memref<100x64xf32, #tpu.memory_space<vmem>>
      %dma_wait3A_271 = arith.constant 0 : i32
      %dma_wait3A_272 = arith.constant 0 : i32
      %dma_wait3A_273 = tpu.memref_slice %arg4[%dma_wait3A_266, %dma_wait3A_271, %dma_wait3A_272] : memref<4096x100x64xf32, #tpu.memory_space<hbm>> -> memref<1x100x64xf32, #tpu.memory_space<hbm>>
      %dma_wait3A_274 = tpu.memref_squeeze %dma_wait3A_273 : memref<1x100x64xf32, #tpu.memory_space<hbm>> -> memref<100x64xf32, #tpu.memory_space<hbm>>
      %dma_wait3A_275 = arith.constant 0 : i32
      %dma_wait3A_276 = arith.constant 0 : i32
      %dma_wait3A_277 = tpu.memref_slice %arg4[%dma_wait3A_266, %dma_wait3A_275, %dma_wait3A_276] : memref<4096x100x64xf32, #tpu.memory_space<hbm>> -> memref<1x100x64xf32, #tpu.memory_space<hbm>>
      %dma_wait3A_278 = tpu.memref_squeeze %dma_wait3A_277 : memref<1x100x64xf32, #tpu.memory_space<hbm>> -> memref<100x64xf32, #tpu.memory_space<hbm>>
      %dma_wait3A_279 = arith.constant 0 : i32
      %dma_wait3A_280 = arith.constant 0 : i32
      %dma_wait3A_281 = tpu.memref_slice %arg6[%dma_wait3A_265, %dma_wait3A_279, %dma_wait3A_280] : memref<4x100x128xf32, #tpu.memory_space<vmem>> -> memref<1x100x64xf32, #tpu.memory_space<vmem>>
      %dma_wait3A_282 = tpu.memref_squeeze %dma_wait3A_281 : memref<1x100x64xf32, #tpu.memory_space<vmem>> -> memref<100x64xf32, #tpu.memory_space<vmem>>
      tpu.wait_dma2 semaphore(%arg14 : memref<!tpu.dma_semaphore, #tpu.memory_space<semaphore_mem>>) src(%dma_wait3A_282 : memref<100x64xf32, #tpu.memory_space<vmem>>) dst(%dma_wait3A_278 : memref<100x64xf32, #tpu.memory_space<hbm>>)
      %add3A_283 = arith.constant 3 : i32
      %add3A_284 = arith.addi %mul3A_59, %add3A_283 : i32
      %add3A_285 = arith.constant 4 : i32
      %add3A_286 = arith.addi %add3A_284, %add3A_285 : i32
      %lt3A_287 = arith.constant 128 : i32
      %lt3A_288 = arith.cmpi slt, %add3A_286, %lt3A_287 : i32
      %convert_element_type3A_289 = arith.extui %lt3A_288 : i1 to i32
      %cond3A_290 = arith.constant 0 : i32
      %cond3A_291 = arith.cmpi ne, %convert_element_type3A_289, %cond3A_290 : i32
      scf.if %cond3A_291 {
        %dma_start3A_292 = arith.constant 3 : i32
        %dma_start3A_293 = arith.constant 0 : i32
        %dma_start3A_294 = arith.constant 0 : i32
        %dma_start3A_295 = tpu.memref_slice %arg6[%dma_start3A_292, %dma_start3A_293, %dma_start3A_294] : memref<4x100x128xf32, #tpu.memory_space<vmem>> -> memref<1x100x128xf32, #tpu.memory_space<vmem>>
        %dma_start3A_296 = tpu.memref_squeeze %dma_start3A_295 : memref<1x100x128xf32, #tpu.memory_space<vmem>> -> memref<100x128xf32, #tpu.memory_space<vmem>>
        %dma_start3A_297 = arith.constant 0 : i32
        %dma_start3A_298 = tpu.memref_slice %arg5[%add3A_286, %dma_start3A_297] : memref<128x100xi32, #tpu.memory_space<vmem>> -> memref<1x100xi32, #tpu.memory_space<vmem>>
        %dma_start3A_299 = tpu.memref_squeeze %dma_start3A_298 : memref<1x100xi32, #tpu.memory_space<vmem>> -> memref<100xi32, #tpu.memory_space<vmem>>
        %dma_start3A_300 = arith.constant 0 : i32
        %dma_start3A_301 = arith.constant 0 : i32
        %dma_start3A_302 = tpu.memref_slice %arg3[%dma_start3A_300, %dma_start3A_301] : memref<1000000x128xf32, #tpu.memory_space<hbm>> -> memref<1000000x128xf32, #tpu.memory_space<hbm>>
        tpu.enqueue_indirect_dma source(%dma_start3A_302 : memref<1000000x128xf32, #tpu.memory_space<hbm>>) target(%dma_start3A_296 : memref<100x128xf32, #tpu.memory_space<vmem>>) offsets(%dma_start3A_299 : memref<100xi32, #tpu.memory_space<vmem>>) semaphore(%arg10 : memref<!tpu.dma_semaphore, #tpu.memory_space<semaphore_mem>>)
      } else {
      }
    }
    %scan3A_56 = arith.constant 32 : i32
    return
  }
}

#map = affine_map<(d0, d1) -> (0, 0)>
#map1 = affine_map<(d0, d1) -> (0, 0, 0)>
module attributes {stable_mosaic.version = 14 : i64} {
  func.func @_emb_lookup(%arg0: i32, %arg1: i32, %arg2: memref<4096x100xi32, #tpu.memory_space<hbm>>, %arg3: memref<1000000x128xf32, #tpu.memory_space<hbm>>, %arg4: memref<4096x100x64xf32, #tpu.memory_space<hbm>>, %arg5: memref<128x100xi32, #tpu.memory_space<vmem>>, %arg6: memref<4x100x128xf32, #tpu.memory_space<vmem>>, %arg7: memref<!tpu.dma_semaphore, #tpu.memory_space<semaphore_mem>>, %arg8: memref<!tpu.dma_semaphore, #tpu.memory_space<semaphore_mem>>, %arg9: memref<!tpu.dma_semaphore, #tpu.memory_space<semaphore_mem>>, %arg10: memref<!tpu.dma_semaphore, #tpu.memory_space<semaphore_mem>>, %arg11: memref<!tpu.dma_semaphore, #tpu.memory_space<semaphore_mem>>, %arg12: memref<!tpu.dma_semaphore, #tpu.memory_space<semaphore_mem>>, %arg13: memref<!tpu.dma_semaphore, #tpu.memory_space<semaphore_mem>>, %arg14: memref<!tpu.dma_semaphore, #tpu.memory_space<semaphore_mem>>) attributes {dimension_semantics = [#tpu.dimension_semantics<core_parallel>, #tpu.dimension_semantics<subcore_parallel>], iteration_bounds = array<i64: 2, 16>, scalar_prefetch = 0 : i64, scratch_operands = 10 : i64, tpu.core_type = #tpu.core_type<sc_vector_subcore>, window_params = [{transform_indices = #map}, {transform_indices = #map}, {transform_indices = #map1}]} {
    %mul3A = arith.constant 2 : i32
    %mul3A_0 = arith.muli %arg1, %mul3A : i32
    %add3A = arith.addi %mul3A_0, %arg0 : i32
    %mul3A_1 = arith.constant 128 : i32
    %mul3A_2 = arith.muli %add3A, %mul3A_1 : i32
    "tpu.region"() ({
      %run_scoped3A = tpu.sem_alloc : memref<!tpu.dma_semaphore, #tpu.memory_space<semaphore_mem>>
      %dma_start3A_57 = arith.constant 0 : i32
      %dma_start3A_58 = tpu.memref_slice %arg2[%mul3A_2, %dma_start3A_57] : memref<4096x100xi32, #tpu.memory_space<hbm>> -> memref<128x100xi32, #tpu.memory_space<hbm>>
      %dma_start3A_59 = arith.constant 0 : i32
      %dma_start3A_60 = tpu.memref_slice %arg2[%mul3A_2, %dma_start3A_59] : memref<4096x100xi32, #tpu.memory_space<hbm>> -> memref<128x100xi32, #tpu.memory_space<hbm>>
      tpu.enqueue_dma source(%dma_start3A_60 : memref<128x100xi32, #tpu.memory_space<hbm>>) target(%arg5 : memref<128x100xi32, #tpu.memory_space<vmem>>) target_semaphore(%run_scoped3A : memref<!tpu.dma_semaphore, #tpu.memory_space<semaphore_mem>>)
      %dma_wait3A = arith.constant 0 : i32
      %dma_wait3A_61 = tpu.memref_slice %arg2[%mul3A_2, %dma_wait3A] : memref<4096x100xi32, #tpu.memory_space<hbm>> -> memref<128x100xi32, #tpu.memory_space<hbm>>
      %dma_wait3A_62 = arith.constant 0 : i32
      %dma_wait3A_63 = tpu.memref_slice %arg2[%mul3A_2, %dma_wait3A_62] : memref<4096x100xi32, #tpu.memory_space<hbm>> -> memref<128x100xi32, #tpu.memory_space<hbm>>
      tpu.wait_dma2 semaphore(%run_scoped3A : memref<!tpu.dma_semaphore, #tpu.memory_space<semaphore_mem>>) src(%dma_wait3A_63 : memref<128x100xi32, #tpu.memory_space<hbm>>) dst(%arg5 : memref<128x100xi32, #tpu.memory_space<vmem>>)
      tpu.yield
    }) : () -> ()
    %mul3A_3 = arith.constant 128 : i32
    %mul3A_4 = arith.muli %add3A, %mul3A_3 : i32
    %dma_start3A = arith.constant 0 : i32
    %dma_start3A_5 = arith.constant 0 : i32
    %dma_start3A_6 = arith.constant 0 : i32
    %dma_start3A_7 = arith.constant 0 : i32
    %dma_start3A_8 = tpu.memref_slice %arg6[%dma_start3A_5, %dma_start3A_6, %dma_start3A_7] : memref<4x100x128xf32, #tpu.memory_space<vmem>> -> memref<1x100x128xf32, #tpu.memory_space<vmem>>
    %dma_start3A_9 = tpu.memref_squeeze %dma_start3A_8 : memref<1x100x128xf32, #tpu.memory_space<vmem>> -> memref<100x128xf32, #tpu.memory_space<vmem>>
    %dma_start3A_10 = arith.constant 0 : i32
    %dma_start3A_11 = tpu.memref_slice %arg5[%dma_start3A, %dma_start3A_10] : memref<128x100xi32, #tpu.memory_space<vmem>> -> memref<1x100xi32, #tpu.memory_space<vmem>>
    %dma_start3A_12 = tpu.memref_squeeze %dma_start3A_11 : memref<1x100xi32, #tpu.memory_space<vmem>> -> memref<100xi32, #tpu.memory_space<vmem>>
    %dma_start3A_13 = arith.constant 0 : i32
    %dma_start3A_14 = arith.constant 0 : i32
    %dma_start3A_15 = tpu.memref_slice %arg3[%dma_start3A_13, %dma_start3A_14] : memref<1000000x128xf32, #tpu.memory_space<hbm>> -> memref<1000000x128xf32, #tpu.memory_space<hbm>>
    tpu.enqueue_indirect_dma source(%dma_start3A_15 : memref<1000000x128xf32, #tpu.memory_space<hbm>>) target(%dma_start3A_9 : memref<100x128xf32, #tpu.memory_space<vmem>>) offsets(%dma_start3A_12 : memref<100xi32, #tpu.memory_space<vmem>>) semaphore(%arg7 : memref<!tpu.dma_semaphore, #tpu.memory_space<semaphore_mem>>)
    %dma_start3A_16 = arith.constant 1 : i32
    %dma_start3A_17 = arith.constant 1 : i32
    %dma_start3A_18 = arith.constant 0 : i32
    %dma_start3A_19 = arith.constant 0 : i32
    %dma_start3A_20 = tpu.memref_slice %arg6[%dma_start3A_17, %dma_start3A_18, %dma_start3A_19] : memref<4x100x128xf32, #tpu.memory_space<vmem>> -> memref<1x100x128xf32, #tpu.memory_space<vmem>>
    %dma_start3A_21 = tpu.memref_squeeze %dma_start3A_20 : memref<1x100x128xf32, #tpu.memory_space<vmem>> -> memref<100x128xf32, #tpu.memory_space<vmem>>
    %dma_start3A_22 = arith.constant 0 : i32
    %dma_start3A_23 = tpu.memref_slice %arg5[%dma_start3A_16, %dma_start3A_22] : memref<128x100xi32, #tpu.memory_space<vmem>> -> memref<1x100xi32, #tpu.memory_space<vmem>>
    %dma_start3A_24 = tpu.memref_squeeze %dma_start3A_23 : memref<1x100xi32, #tpu.memory_space<vmem>> -> memref<100xi32, #tpu.memory_space<vmem>>
    %dma_start3A_25 = arith.constant 0 : i32
    %dma_start3A_26 = arith.constant 0 : i32
    %dma_start3A_27 = tpu.memref_slice %arg3[%dma_start3A_25, %dma_start3A_26] : memref<1000000x128xf32, #tpu.memory_space<hbm>> -> memref<1000000x128xf32, #tpu.memory_space<hbm>>
    tpu.enqueue_indirect_dma source(%dma_start3A_27 : memref<1000000x128xf32, #tpu.memory_space<hbm>>) target(%dma_start3A_21 : memref<100x128xf32, #tpu.memory_space<vmem>>) offsets(%dma_start3A_24 : memref<100xi32, #tpu.memory_space<vmem>>) semaphore(%arg8 : memref<!tpu.dma_semaphore, #tpu.memory_space<semaphore_mem>>)
    %dma_start3A_28 = arith.constant 2 : i32
    %dma_start3A_29 = arith.constant 2 : i32
    %dma_start3A_30 = arith.constant 0 : i32
    %dma_start3A_31 = arith.constant 0 : i32
    %dma_start3A_32 = tpu.memref_slice %arg6[%dma_start3A_29, %dma_start3A_30, %dma_start3A_31] : memref<4x100x128xf32, #tpu.memory_space<vmem>> -> memref<1x100x128xf32, #tpu.memory_space<vmem>>
    %dma_start3A_33 = tpu.memref_squeeze %dma_start3A_32 : memref<1x100x128xf32, #tpu.memory_space<vmem>> -> memref<100x128xf32, #tpu.memory_space<vmem>>
    %dma_start3A_34 = arith.constant 0 : i32
    %dma_start3A_35 = tpu.memref_slice %arg5[%dma_start3A_28, %dma_start3A_34] : memref<128x100xi32, #tpu.memory_space<vmem>> -> memref<1x100xi32, #tpu.memory_space<vmem>>
    %dma_start3A_36 = tpu.memref_squeeze %dma_start3A_35 : memref<1x100xi32, #tpu.memory_space<vmem>> -> memref<100xi32, #tpu.memory_space<vmem>>
    %dma_start3A_37 = arith.constant 0 : i32
    %dma_start3A_38 = arith.constant 0 : i32
    %dma_start3A_39 = tpu.memref_slice %arg3[%dma_start3A_37, %dma_start3A_38] : memref<1000000x128xf32, #tpu.memory_space<hbm>> -> memref<1000000x128xf32, #tpu.memory_space<hbm>>
    tpu.enqueue_indirect_dma source(%dma_start3A_39 : memref<1000000x128xf32, #tpu.memory_space<hbm>>) target(%dma_start3A_33 : memref<100x128xf32, #tpu.memory_space<vmem>>) offsets(%dma_start3A_36 : memref<100xi32, #tpu.memory_space<vmem>>) semaphore(%arg9 : memref<!tpu.dma_semaphore, #tpu.memory_space<semaphore_mem>>)
    %dma_start3A_40 = arith.constant 3 : i32
    %dma_start3A_41 = arith.constant 3 : i32
    %dma_start3A_42 = arith.constant 0 : i32
    %dma_start3A_43 = arith.constant 0 : i32
    %dma_start3A_44 = tpu.memref_slice %arg6[%dma_start3A_41, %dma_start3A_42, %dma_start3A_43] : memref<4x100x128xf32, #tpu.memory_space<vmem>> -> memref<1x100x128xf32, #tpu.memory_space<vmem>>
    %dma_start3A_45 = tpu.memref_squeeze %dma_start3A_44 : memref<1x100x128xf32, #tpu.memory_space<vmem>> -> memref<100x128xf32, #tpu.memory_space<vmem>>
    %dma_start3A_46 = arith.constant 0 : i32
    %dma_start3A_47 = tpu.memref_slice %arg5[%dma_start3A_40, %dma_start3A_46] : memref<128x100xi32, #tpu.memory_space<vmem>> -> memref<1x100xi32, #tpu.memory_space<vmem>>
    %dma_start3A_48 = tpu.memref_squeeze %dma_start3A_47 : memref<1x100xi32, #tpu.memory_space<vmem>> -> memref<100xi32, #tpu.memory_space<vmem>>
    %dma_start3A_49 = arith.constant 0 : i32
    %dma_start3A_50 = arith.constant 0 : i32
    %dma_start3A_51 = tpu.memref_slice %arg3[%dma_start3A_49, %dma_start3A_50] : memref<1000000x128xf32, #tpu.memory_space<hbm>> -> memref<1000000x128xf32, #tpu.memory_space<hbm>>
    tpu.enqueue_indirect_dma source(%dma_start3A_51 : memref<1000000x128xf32, #tpu.memory_space<hbm>>) target(%dma_start3A_45 : memref<100x128xf32, #tpu.memory_space<vmem>>) offsets(%dma_start3A_48 : memref<100xi32, #tpu.memory_space<vmem>>) semaphore(%arg10 : memref<!tpu.dma_semaphore, #tpu.memory_space<semaphore_mem>>)
    %scan3A = arith.constant 0 : i32
    %scan3A_52 = arith.constant 0 : i32
    %scan3A_53 = arith.constant 32 : i32
    %scan3A_54 = arith.addi %scan3A_52, %scan3A_53 : i32
    %scan3A_55 = arith.constant 1 : i32
    scf.for %scan3A_57 = %scan3A_52 to %scan3A_54 step %scan3A_55  : i32 {
      %mul3A_58 = arith.constant 4 : i32
      %mul3A_59 = arith.muli %scan3A_57, %mul3A_58 : i32
      %dma_wait3A = arith.constant 0 : i32
      %dma_wait3A_60 = arith.constant 0 : i32
      %dma_wait3A_61 = arith.constant 0 : i32
      %dma_wait3A_62 = arith.constant 0 : i32
      %dma_wait3A_63 = tpu.memref_slice %arg6[%dma_wait3A_60, %dma_wait3A_61, %dma_wait3A_62] : memref<4x100x128xf32, #tpu.memory_space<vmem>> -> memref<1x100x128xf32, #tpu.memory_space<vmem>>
      %dma_wait3A_64 = tpu.memref_squeeze %dma_wait3A_63 : memref<1x100x128xf32, #tpu.memory_space<vmem>> -> memref<100x128xf32, #tpu.memory_space<vmem>>
      %dma_wait3A_65 = arith.constant 0 : i32
      %dma_wait3A_66 = tpu.memref_slice %arg5[%dma_wait3A, %dma_wait3A_65] : memref<128x100xi32, #tpu.memory_space<vmem>> -> memref<1x100xi32, #tpu.memory_space<vmem>>
      %dma_wait3A_67 = tpu.memref_squeeze %dma_wait3A_66 : memref<1x100xi32, #tpu.memory_space<vmem>> -> memref<100xi32, #tpu.memory_space<vmem>>
      %dma_wait3A_68 = arith.constant 0 : i32
      %dma_wait3A_69 = arith.constant 0 : i32
      %dma_wait3A_70 = tpu.memref_slice %arg3[%dma_wait3A_68, %dma_wait3A_69] : memref<1000000x128xf32, #tpu.memory_space<hbm>> -> memref<1000000x128xf32, #tpu.memory_space<hbm>>
      tpu.wait_indirect_dma semaphore(%arg7 : memref<!tpu.dma_semaphore, #tpu.memory_space<semaphore_mem>>) src(%dma_wait3A_70 : memref<1000000x128xf32, #tpu.memory_space<hbm>>) dst(%dma_wait3A_64 : memref<100x128xf32, #tpu.memory_space<vmem>>)
      %add3A_71 = arith.addi %mul3A_4, %mul3A_59 : i32
      %add3A_72 = arith.constant 0 : i32
      %add3A_73 = arith.addi %add3A_71, %add3A_72 : i32
      %dma_start3A_74 = arith.constant 0 : i32
      %dma_start3A_75 = arith.constant 0 : i32
      %dma_start3A_76 = arith.constant 0 : i32
      %dma_start3A_77 = tpu.memref_slice %arg6[%dma_start3A_74, %dma_start3A_75, %dma_start3A_76] : memref<4x100x128xf32, #tpu.memory_space<vmem>> -> memref<1x100x64xf32, #tpu.memory_space<vmem>>
      %dma_start3A_78 = tpu.memref_squeeze %dma_start3A_77 : memref<1x100x64xf32, #tpu.memory_space<vmem>> -> memref<100x64xf32, #tpu.memory_space<vmem>>
      %dma_start3A_79 = arith.constant 0 : i32
      %dma_start3A_80 = arith.constant 0 : i32
      %dma_start3A_81 = tpu.memref_slice %arg4[%add3A_73, %dma_start3A_79, %dma_start3A_80] : memref<4096x100x64xf32, #tpu.memory_space<hbm>> -> memref<1x100x64xf32, #tpu.memory_space<hbm>>
      %dma_start3A_82 = tpu.memref_squeeze %dma_start3A_81 : memref<1x100x64xf32, #tpu.memory_space<hbm>> -> memref<100x64xf32, #tpu.memory_space<hbm>>
      %dma_start3A_83 = arith.constant 0 : i32
      %dma_start3A_84 = arith.constant 0 : i32
      %dma_start3A_85 = tpu.memref_slice %arg4[%add3A_73, %dma_start3A_83, %dma_start3A_84] : memref<4096x100x64xf32, #tpu.memory_space<hbm>> -> memref<1x100x64xf32, #tpu.memory_space<hbm>>
      %dma_start3A_86 = tpu.memref_squeeze %dma_start3A_85 : memref<1x100x64xf32, #tpu.memory_space<hbm>> -> memref<100x64xf32, #tpu.memory_space<hbm>>
      %dma_start3A_87 = arith.constant 0 : i32
      %dma_start3A_88 = arith.constant 0 : i32
      %dma_start3A_89 = tpu.memref_slice %arg6[%dma_start3A_74, %dma_start3A_87, %dma_start3A_88] : memref<4x100x128xf32, #tpu.memory_space<vmem>> -> memref<1x100x64xf32, #tpu.memory_space<vmem>>
      %dma_start3A_90 = tpu.memref_squeeze %dma_start3A_89 : memref<1x100x64xf32, #tpu.memory_space<vmem>> -> memref<100x64xf32, #tpu.memory_space<vmem>>
      tpu.enqueue_dma source(%dma_start3A_90 : memref<100x64xf32, #tpu.memory_space<vmem>>) target(%dma_start3A_86 : memref<100x64xf32, #tpu.memory_space<hbm>>) target_semaphore(%arg11 : memref<!tpu.dma_semaphore, #tpu.memory_space<semaphore_mem>>)
      %dma_wait3A_91 = arith.constant 0 : i32
      %dma_wait3A_92 = arith.constant 1 : i32
      %dma_wait3A_93 = arith.constant 0 : i32
      %dma_wait3A_94 = arith.constant 0 : i32
      %dma_wait3A_95 = tpu.memref_slice %arg6[%dma_wait3A_92, %dma_wait3A_93, %dma_wait3A_94] : memref<4x100x128xf32, #tpu.memory_space<vmem>> -> memref<1x100x128xf32, #tpu.memory_space<vmem>>
      %dma_wait3A_96 = tpu.memref_squeeze %dma_wait3A_95 : memref<1x100x128xf32, #tpu.memory_space<vmem>> -> memref<100x128xf32, #tpu.memory_space<vmem>>
      %dma_wait3A_97 = arith.constant 0 : i32
      %dma_wait3A_98 = tpu.memref_slice %arg5[%dma_wait3A_91, %dma_wait3A_97] : memref<128x100xi32, #tpu.memory_space<vmem>> -> memref<1x100xi32, #tpu.memory_space<vmem>>
      %dma_wait3A_99 = tpu.memref_squeeze %dma_wait3A_98 : memref<1x100xi32, #tpu.memory_space<vmem>> -> memref<100xi32, #tpu.memory_space<vmem>>
      %dma_wait3A_100 = arith.constant 0 : i32
      %dma_wait3A_101 = arith.constant 0 : i32
      %dma_wait3A_102 = tpu.memref_slice %arg3[%dma_wait3A_100, %dma_wait3A_101] : memref<1000000x128xf32, #tpu.memory_space<hbm>> -> memref<1000000x128xf32, #tpu.memory_space<hbm>>
      tpu.wait_indirect_dma semaphore(%arg8 : memref<!tpu.dma_semaphore, #tpu.memory_space<semaphore_mem>>) src(%dma_wait3A_102 : memref<1000000x128xf32, #tpu.memory_space<hbm>>) dst(%dma_wait3A_96 : memref<100x128xf32, #tpu.memory_space<vmem>>)
      %add3A_103 = arith.addi %mul3A_4, %mul3A_59 : i32
      %add3A_104 = arith.constant 1 : i32
      %add3A_105 = arith.addi %add3A_103, %add3A_104 : i32
      %dma_start3A_106 = arith.constant 1 : i32
      %dma_start3A_107 = arith.constant 0 : i32
      %dma_start3A_108 = arith.constant 0 : i32
      %dma_start3A_109 = tpu.memref_slice %arg6[%dma_start3A_106, %dma_start3A_107, %dma_start3A_108] : memref<4x100x128xf32, #tpu.memory_space<vmem>> -> memref<1x100x64xf32, #tpu.memory_space<vmem>>
      %dma_start3A_110 = tpu.memref_squeeze %dma_start3A_109 : memref<1x100x64xf32, #tpu.memory_space<vmem>> -> memref<100x64xf32, #tpu.memory_space<vmem>>
      %dma_start3A_111 = arith.constant 0 : i32
      %dma_start3A_112 = arith.constant 0 : i32
      %dma_start3A_113 = tpu.memref_slice %arg4[%add3A_105, %dma_start3A_111, %dma_start3A_112] : memref<4096x100x64xf32, #tpu.memory_space<hbm>> -> memref<1x100x64xf32, #tpu.memory_space<hbm>>
      %dma_start3A_114 = tpu.memref_squeeze %dma_start3A_113 : memref<1x100x64xf32, #tpu.memory_space<hbm>> -> memref<100x64xf32, #tpu.memory_space<hbm>>
      %dma_start3A_115 = arith.constant 0 : i32
      %dma_start3A_116 = arith.constant 0 : i32
      %dma_start3A_117 = tpu.memref_slice %arg4[%add3A_105, %dma_start3A_115, %dma_start3A_116] : memref<4096x100x64xf32, #tpu.memory_space<hbm>> -> memref<1x100x64xf32, #tpu.memory_space<hbm>>
      %dma_start3A_118 = tpu.memref_squeeze %dma_start3A_117 : memref<1x100x64xf32, #tpu.memory_space<hbm>> -> memref<100x64xf32, #tpu.memory_space<hbm>>
      %dma_start3A_119 = arith.constant 0 : i32
      %dma_start3A_120 = arith.constant 0 : i32
      %dma_start3A_121 = tpu.memref_slice %arg6[%dma_start3A_106, %dma_start3A_119, %dma_start3A_120] : memref<4x100x128xf32, #tpu.memory_space<vmem>> -> memref<1x100x64xf32, #tpu.memory_space<vmem>>
      %dma_start3A_122 = tpu.memref_squeeze %dma_start3A_121 : memref<1x100x64xf32, #tpu.memory_space<vmem>> -> memref<100x64xf32, #tpu.memory_space<vmem>>
      tpu.enqueue_dma source(%dma_start3A_122 : memref<100x64xf32, #tpu.memory_space<vmem>>) target(%dma_start3A_118 : memref<100x64xf32, #tpu.memory_space<hbm>>) target_semaphore(%arg12 : memref<!tpu.dma_semaphore, #tpu.memory_space<semaphore_mem>>)
      %dma_wait3A_123 = arith.constant 0 : i32
      %dma_wait3A_124 = arith.constant 2 : i32
      %dma_wait3A_125 = arith.constant 0 : i32
      %dma_wait3A_126 = arith.constant 0 : i32
      %dma_wait3A_127 = tpu.memref_slice %arg6[%dma_wait3A_124, %dma_wait3A_125, %dma_wait3A_126] : memref<4x100x128xf32, #tpu.memory_space<vmem>> -> memref<1x100x128xf32, #tpu.memory_space<vmem>>
      %dma_wait3A_128 = tpu.memref_squeeze %dma_wait3A_127 : memref<1x100x128xf32, #tpu.memory_space<vmem>> -> memref<100x128xf32, #tpu.memory_space<vmem>>
      %dma_wait3A_129 = arith.constant 0 : i32
      %dma_wait3A_130 = tpu.memref_slice %arg5[%dma_wait3A_123, %dma_wait3A_129] : memref<128x100xi32, #tpu.memory_space<vmem>> -> memref<1x100xi32, #tpu.memory_space<vmem>>
      %dma_wait3A_131 = tpu.memref_squeeze %dma_wait3A_130 : memref<1x100xi32, #tpu.memory_space<vmem>> -> memref<100xi32, #tpu.memory_space<vmem>>
      %dma_wait3A_132 = arith.constant 0 : i32
      %dma_wait3A_133 = arith.constant 0 : i32
      %dma_wait3A_134 = tpu.memref_slice %arg3[%dma_wait3A_132, %dma_wait3A_133] : memref<1000000x128xf32, #tpu.memory_space<hbm>> -> memref<1000000x128xf32, #tpu.memory_space<hbm>>
      tpu.wait_indirect_dma semaphore(%arg9 : memref<!tpu.dma_semaphore, #tpu.memory_space<semaphore_mem>>) src(%dma_wait3A_134 : memref<1000000x128xf32, #tpu.memory_space<hbm>>) dst(%dma_wait3A_128 : memref<100x128xf32, #tpu.memory_space<vmem>>)
      %add3A_135 = arith.addi %mul3A_4, %mul3A_59 : i32
      %add3A_136 = arith.constant 2 : i32
      %add3A_137 = arith.addi %add3A_135, %add3A_136 : i32
      %dma_start3A_138 = arith.constant 2 : i32
      %dma_start3A_139 = arith.constant 0 : i32
      %dma_start3A_140 = arith.constant 0 : i32
      %dma_start3A_141 = tpu.memref_slice %arg6[%dma_start3A_138, %dma_start3A_139, %dma_start3A_140] : memref<4x100x128xf32, #tpu.memory_space<vmem>> -> memref<1x100x64xf32, #tpu.memory_space<vmem>>
      %dma_start3A_142 = tpu.memref_squeeze %dma_start3A_141 : memref<1x100x64xf32, #tpu.memory_space<vmem>> -> memref<100x64xf32, #tpu.memory_space<vmem>>
      %dma_start3A_143 = arith.constant 0 : i32
      %dma_start3A_144 = arith.constant 0 : i32
      %dma_start3A_145 = tpu.memref_slice %arg4[%add3A_137, %dma_start3A_143, %dma_start3A_144] : memref<4096x100x64xf32, #tpu.memory_space<hbm>> -> memref<1x100x64xf32, #tpu.memory_space<hbm>>
      %dma_start3A_146 = tpu.memref_squeeze %dma_start3A_145 : memref<1x100x64xf32, #tpu.memory_space<hbm>> -> memref<100x64xf32, #tpu.memory_space<hbm>>
      %dma_start3A_147 = arith.constant 0 : i32
      %dma_start3A_148 = arith.constant 0 : i32
      %dma_start3A_149 = tpu.memref_slice %arg4[%add3A_137, %dma_start3A_147, %dma_start3A_148] : memref<4096x100x64xf32, #tpu.memory_space<hbm>> -> memref<1x100x64xf32, #tpu.memory_space<hbm>>
      %dma_start3A_150 = tpu.memref_squeeze %dma_start3A_149 : memref<1x100x64xf32, #tpu.memory_space<hbm>> -> memref<100x64xf32, #tpu.memory_space<hbm>>
      %dma_start3A_151 = arith.constant 0 : i32
      %dma_start3A_152 = arith.constant 0 : i32
      %dma_start3A_153 = tpu.memref_slice %arg6[%dma_start3A_138, %dma_start3A_151, %dma_start3A_152] : memref<4x100x128xf32, #tpu.memory_space<vmem>> -> memref<1x100x64xf32, #tpu.memory_space<vmem>>
      %dma_start3A_154 = tpu.memref_squeeze %dma_start3A_153 : memref<1x100x64xf32, #tpu.memory_space<vmem>> -> memref<100x64xf32, #tpu.memory_space<vmem>>
      tpu.enqueue_dma source(%dma_start3A_154 : memref<100x64xf32, #tpu.memory_space<vmem>>) target(%dma_start3A_150 : memref<100x64xf32, #tpu.memory_space<hbm>>) target_semaphore(%arg13 : memref<!tpu.dma_semaphore, #tpu.memory_space<semaphore_mem>>)
      %dma_wait3A_155 = arith.constant 0 : i32
      %dma_wait3A_156 = arith.constant 3 : i32
      %dma_wait3A_157 = arith.constant 0 : i32
      %dma_wait3A_158 = arith.constant 0 : i32
      %dma_wait3A_159 = tpu.memref_slice %arg6[%dma_wait3A_156, %dma_wait3A_157, %dma_wait3A_158] : memref<4x100x128xf32, #tpu.memory_space<vmem>> -> memref<1x100x128xf32, #tpu.memory_space<vmem>>
      %dma_wait3A_160 = tpu.memref_squeeze %dma_wait3A_159 : memref<1x100x128xf32, #tpu.memory_space<vmem>> -> memref<100x128xf32, #tpu.memory_space<vmem>>
      %dma_wait3A_161 = arith.constant 0 : i32
      %dma_wait3A_162 = tpu.memref_slice %arg5[%dma_wait3A_155, %dma_wait3A_161] : memref<128x100xi32, #tpu.memory_space<vmem>> -> memref<1x100xi32, #tpu.memory_space<vmem>>
      %dma_wait3A_163 = tpu.memref_squeeze %dma_wait3A_162 : memref<1x100xi32, #tpu.memory_space<vmem>> -> memref<100xi32, #tpu.memory_space<vmem>>
      %dma_wait3A_164 = arith.constant 0 : i32
      %dma_wait3A_165 = arith.constant 0 : i32
      %dma_wait3A_166 = tpu.memref_slice %arg3[%dma_wait3A_164, %dma_wait3A_165] : memref<1000000x128xf32, #tpu.memory_space<hbm>> -> memref<1000000x128xf32, #tpu.memory_space<hbm>>
      tpu.wait_indirect_dma semaphore(%arg10 : memref<!tpu.dma_semaphore, #tpu.memory_space<semaphore_mem>>) src(%dma_wait3A_166 : memref<1000000x128xf32, #tpu.memory_space<hbm>>) dst(%dma_wait3A_160 : memref<100x128xf32, #tpu.memory_space<vmem>>)
      %add3A_167 = arith.addi %mul3A_4, %mul3A_59 : i32
      %add3A_168 = arith.constant 3 : i32
      %add3A_169 = arith.addi %add3A_167, %add3A_168 : i32
      %dma_start3A_170 = arith.constant 3 : i32
      %dma_start3A_171 = arith.constant 0 : i32
      %dma_start3A_172 = arith.constant 0 : i32
      %dma_start3A_173 = tpu.memref_slice %arg6[%dma_start3A_170, %dma_start3A_171, %dma_start3A_172] : memref<4x100x128xf32, #tpu.memory_space<vmem>> -> memref<1x100x64xf32, #tpu.memory_space<vmem>>
      %dma_start3A_174 = tpu.memref_squeeze %dma_start3A_173 : memref<1x100x64xf32, #tpu.memory_space<vmem>> -> memref<100x64xf32, #tpu.memory_space<vmem>>
      %dma_start3A_175 = arith.constant 0 : i32
      %dma_start3A_176 = arith.constant 0 : i32
      %dma_start3A_177 = tpu.memref_slice %arg4[%add3A_169, %dma_start3A_175, %dma_start3A_176] : memref<4096x100x64xf32, #tpu.memory_space<hbm>> -> memref<1x100x64xf32, #tpu.memory_space<hbm>>
      %dma_start3A_178 = tpu.memref_squeeze %dma_start3A_177 : memref<1x100x64xf32, #tpu.memory_space<hbm>> -> memref<100x64xf32, #tpu.memory_space<hbm>>
      %dma_start3A_179 = arith.constant 0 : i32
      %dma_start3A_180 = arith.constant 0 : i32
      %dma_start3A_181 = tpu.memref_slice %arg4[%add3A_169, %dma_start3A_179, %dma_start3A_180] : memref<4096x100x64xf32, #tpu.memory_space<hbm>> -> memref<1x100x64xf32, #tpu.memory_space<hbm>>
      %dma_start3A_182 = tpu.memref_squeeze %dma_start3A_181 : memref<1x100x64xf32, #tpu.memory_space<hbm>> -> memref<100x64xf32, #tpu.memory_space<hbm>>
      %dma_start3A_183 = arith.constant 0 : i32
      %dma_start3A_184 = arith.constant 0 : i32
      %dma_start3A_185 = tpu.memref_slice %arg6[%dma_start3A_170, %dma_start3A_183, %dma_start3A_184] : memref<4x100x128xf32, #tpu.memory_space<vmem>> -> memref<1x100x64xf32, #tpu.memory_space<vmem>>
      %dma_start3A_186 = tpu.memref_squeeze %dma_start3A_185 : memref<1x100x64xf32, #tpu.memory_space<vmem>> -> memref<100x64xf32, #tpu.memory_space<vmem>>
      tpu.enqueue_dma source(%dma_start3A_186 : memref<100x64xf32, #tpu.memory_space<vmem>>) target(%dma_start3A_182 : memref<100x64xf32, #tpu.memory_space<hbm>>) target_semaphore(%arg14 : memref<!tpu.dma_semaphore, #tpu.memory_space<semaphore_mem>>)
      %dma_wait3A_187 = arith.constant 0 : i32
      %dma_wait3A_188 = arith.constant 0 : i32
      %dma_wait3A_189 = arith.constant 0 : i32
      %dma_wait3A_190 = arith.constant 0 : i32
      %dma_wait3A_191 = tpu.memref_slice %arg6[%dma_wait3A_187, %dma_wait3A_189, %dma_wait3A_190] : memref<4x100x128xf32, #tpu.memory_space<vmem>> -> memref<1x100x64xf32, #tpu.memory_space<vmem>>
      %dma_wait3A_192 = tpu.memref_squeeze %dma_wait3A_191 : memref<1x100x64xf32, #tpu.memory_space<vmem>> -> memref<100x64xf32, #tpu.memory_space<vmem>>
      %dma_wait3A_193 = arith.constant 0 : i32
      %dma_wait3A_194 = arith.constant 0 : i32
      %dma_wait3A_195 = tpu.memref_slice %arg4[%dma_wait3A_188, %dma_wait3A_193, %dma_wait3A_194] : memref<4096x100x64xf32, #tpu.memory_space<hbm>> -> memref<1x100x64xf32, #tpu.memory_space<hbm>>
      %dma_wait3A_196 = tpu.memref_squeeze %dma_wait3A_195 : memref<1x100x64xf32, #tpu.memory_space<hbm>> -> memref<100x64xf32, #tpu.memory_space<hbm>>
      %dma_wait3A_197 = arith.constant 0 : i32
      %dma_wait3A_198 = arith.constant 0 : i32
      %dma_wait3A_199 = tpu.memref_slice %arg4[%dma_wait3A_188, %dma_wait3A_197, %dma_wait3A_198] : memref<4096x100x64xf32, #tpu.memory_space<hbm>> -> memref<1x100x64xf32, #tpu.memory_space<hbm>>
      %dma_wait3A_200 = tpu.memref_squeeze %dma_wait3A_199 : memref<1x100x64xf32, #tpu.memory_space<hbm>> -> memref<100x64xf32, #tpu.memory_space<hbm>>
      %dma_wait3A_201 = arith.constant 0 : i32
      %dma_wait3A_202 = arith.constant 0 : i32
      %dma_wait3A_203 = tpu.memref_slice %arg6[%dma_wait3A_187, %dma_wait3A_201, %dma_wait3A_202] : memref<4x100x128xf32, #tpu.memory_space<vmem>> -> memref<1x100x64xf32, #tpu.memory_space<vmem>>
      %dma_wait3A_204 = tpu.memref_squeeze %dma_wait3A_203 : memref<1x100x64xf32, #tpu.memory_space<vmem>> -> memref<100x64xf32, #tpu.memory_space<vmem>>
      tpu.wait_dma2 semaphore(%arg11 : memref<!tpu.dma_semaphore, #tpu.memory_space<semaphore_mem>>) src(%dma_wait3A_204 : memref<100x64xf32, #tpu.memory_space<vmem>>) dst(%dma_wait3A_200 : memref<100x64xf32, #tpu.memory_space<hbm>>)
      %add3A_205 = arith.constant 0 : i32
      %add3A_206 = arith.addi %mul3A_59, %add3A_205 : i32
      %add3A_207 = arith.constant 4 : i32
      %add3A_208 = arith.addi %add3A_206, %add3A_207 : i32
      %lt3A = arith.constant 128 : i32
      %lt3A_209 = arith.cmpi slt, %add3A_208, %lt3A : i32
      %convert_element_type3A = arith.extui %lt3A_209 : i1 to i32
      %cond3A = arith.constant 0 : i32
      %cond3A_210 = arith.cmpi ne, %convert_element_type3A, %cond3A : i32
      scf.if %cond3A_210 {
        %dma_start3A_292 = arith.constant 0 : i32
        %dma_start3A_293 = arith.constant 0 : i32
        %dma_start3A_294 = arith.constant 0 : i32
        %dma_start3A_295 = tpu.memref_slice %arg6[%dma_start3A_292, %dma_start3A_293, %dma_start3A_294] : memref<4x100x128xf32, #tpu.memory_space<vmem>> -> memref<1x100x128xf32, #tpu.memory_space<vmem>>
        %dma_start3A_296 = tpu.memref_squeeze %dma_start3A_295 : memref<1x100x128xf32, #tpu.memory_space<vmem>> -> memref<100x128xf32, #tpu.memory_space<vmem>>
        %dma_start3A_297 = arith.constant 0 : i32
        %dma_start3A_298 = tpu.memref_slice %arg5[%add3A_208, %dma_start3A_297] : memref<128x100xi32, #tpu.memory_space<vmem>> -> memref<1x100xi32, #tpu.memory_space<vmem>>
        %dma_start3A_299 = tpu.memref_squeeze %dma_start3A_298 : memref<1x100xi32, #tpu.memory_space<vmem>> -> memref<100xi32, #tpu.memory_space<vmem>>
        %dma_start3A_300 = arith.constant 0 : i32
        %dma_start3A_301 = arith.constant 0 : i32
        %dma_start3A_302 = tpu.memref_slice %arg3[%dma_start3A_300, %dma_start3A_301] : memref<1000000x128xf32, #tpu.memory_space<hbm>> -> memref<1000000x128xf32, #tpu.memory_space<hbm>>
        tpu.enqueue_indirect_dma source(%dma_start3A_302 : memref<1000000x128xf32, #tpu.memory_space<hbm>>) target(%dma_start3A_296 : memref<100x128xf32, #tpu.memory_space<vmem>>) offsets(%dma_start3A_299 : memref<100xi32, #tpu.memory_space<vmem>>) semaphore(%arg7 : memref<!tpu.dma_semaphore, #tpu.memory_space<semaphore_mem>>)
      } else {
      }
      %dma_wait3A_211 = arith.constant 1 : i32
      %dma_wait3A_212 = arith.constant 0 : i32
      %dma_wait3A_213 = arith.constant 0 : i32
      %dma_wait3A_214 = arith.constant 0 : i32
      %dma_wait3A_215 = tpu.memref_slice %arg6[%dma_wait3A_211, %dma_wait3A_213, %dma_wait3A_214] : memref<4x100x128xf32, #tpu.memory_space<vmem>> -> memref<1x100x64xf32, #tpu.memory_space<vmem>>
      %dma_wait3A_216 = tpu.memref_squeeze %dma_wait3A_215 : memref<1x100x64xf32, #tpu.memory_space<vmem>> -> memref<100x64xf32, #tpu.memory_space<vmem>>
      %dma_wait3A_217 = arith.constant 0 : i32
      %dma_wait3A_218 = arith.constant 0 : i32
      %dma_wait3A_219 = tpu.memref_slice %arg4[%dma_wait3A_212, %dma_wait3A_217, %dma_wait3A_218] : memref<4096x100x64xf32, #tpu.memory_space<hbm>> -> memref<1x100x64xf32, #tpu.memory_space<hbm>>
      %dma_wait3A_220 = tpu.memref_squeeze %dma_wait3A_219 : memref<1x100x64xf32, #tpu.memory_space<hbm>> -> memref<100x64xf32, #tpu.memory_space<hbm>>
      %dma_wait3A_221 = arith.constant 0 : i32
      %dma_wait3A_222 = arith.constant 0 : i32
      %dma_wait3A_223 = tpu.memref_slice %arg4[%dma_wait3A_212, %dma_wait3A_221, %dma_wait3A_222] : memref<4096x100x64xf32, #tpu.memory_space<hbm>> -> memref<1x100x64xf32, #tpu.memory_space<hbm>>
      %dma_wait3A_224 = tpu.memref_squeeze %dma_wait3A_223 : memref<1x100x64xf32, #tpu.memory_space<hbm>> -> memref<100x64xf32, #tpu.memory_space<hbm>>
      %dma_wait3A_225 = arith.constant 0 : i32
      %dma_wait3A_226 = arith.constant 0 : i32
      %dma_wait3A_227 = tpu.memref_slice %arg6[%dma_wait3A_211, %dma_wait3A_225, %dma_wait3A_226] : memref<4x100x128xf32, #tpu.memory_space<vmem>> -> memref<1x100x64xf32, #tpu.memory_space<vmem>>
      %dma_wait3A_228 = tpu.memref_squeeze %dma_wait3A_227 : memref<1x100x64xf32, #tpu.memory_space<vmem>> -> memref<100x64xf32, #tpu.memory_space<vmem>>
      tpu.wait_dma2 semaphore(%arg12 : memref<!tpu.dma_semaphore, #tpu.memory_space<semaphore_mem>>) src(%dma_wait3A_228 : memref<100x64xf32, #tpu.memory_space<vmem>>) dst(%dma_wait3A_224 : memref<100x64xf32, #tpu.memory_space<hbm>>)
      %add3A_229 = arith.constant 1 : i32
      %add3A_230 = arith.addi %mul3A_59, %add3A_229 : i32
      %add3A_231 = arith.constant 4 : i32
      %add3A_232 = arith.addi %add3A_230, %add3A_231 : i32
      %lt3A_233 = arith.constant 128 : i32
      %lt3A_234 = arith.cmpi slt, %add3A_232, %lt3A_233 : i32
      %convert_element_type3A_235 = arith.extui %lt3A_234 : i1 to i32
      %cond3A_236 = arith.constant 0 : i32
      %cond3A_237 = arith.cmpi ne, %convert_element_type3A_235, %cond3A_236 : i32
      scf.if %cond3A_237 {
        %dma_start3A_292 = arith.constant 1 : i32
        %dma_start3A_293 = arith.constant 0 : i32
        %dma_start3A_294 = arith.constant 0 : i32
        %dma_start3A_295 = tpu.memref_slice %arg6[%dma_start3A_292, %dma_start3A_293, %dma_start3A_294] : memref<4x100x128xf32, #tpu.memory_space<vmem>> -> memref<1x100x128xf32, #tpu.memory_space<vmem>>
        %dma_start3A_296 = tpu.memref_squeeze %dma_start3A_295 : memref<1x100x128xf32, #tpu.memory_space<vmem>> -> memref<100x128xf32, #tpu.memory_space<vmem>>
        %dma_start3A_297 = arith.constant 0 : i32
        %dma_start3A_298 = tpu.memref_slice %arg5[%add3A_232, %dma_start3A_297] : memref<128x100xi32, #tpu.memory_space<vmem>> -> memref<1x100xi32, #tpu.memory_space<vmem>>
        %dma_start3A_299 = tpu.memref_squeeze %dma_start3A_298 : memref<1x100xi32, #tpu.memory_space<vmem>> -> memref<100xi32, #tpu.memory_space<vmem>>
        %dma_start3A_300 = arith.constant 0 : i32
        %dma_start3A_301 = arith.constant 0 : i32
        %dma_start3A_302 = tpu.memref_slice %arg3[%dma_start3A_300, %dma_start3A_301] : memref<1000000x128xf32, #tpu.memory_space<hbm>> -> memref<1000000x128xf32, #tpu.memory_space<hbm>>
        tpu.enqueue_indirect_dma source(%dma_start3A_302 : memref<1000000x128xf32, #tpu.memory_space<hbm>>) target(%dma_start3A_296 : memref<100x128xf32, #tpu.memory_space<vmem>>) offsets(%dma_start3A_299 : memref<100xi32, #tpu.memory_space<vmem>>) semaphore(%arg8 : memref<!tpu.dma_semaphore, #tpu.memory_space<semaphore_mem>>)
      } else {
      }
      %dma_wait3A_238 = arith.constant 2 : i32
      %dma_wait3A_239 = arith.constant 0 : i32
      %dma_wait3A_240 = arith.constant 0 : i32
      %dma_wait3A_241 = arith.constant 0 : i32
      %dma_wait3A_242 = tpu.memref_slice %arg6[%dma_wait3A_238, %dma_wait3A_240, %dma_wait3A_241] : memref<4x100x128xf32, #tpu.memory_space<vmem>> -> memref<1x100x64xf32, #tpu.memory_space<vmem>>
      %dma_wait3A_243 = tpu.memref_squeeze %dma_wait3A_242 : memref<1x100x64xf32, #tpu.memory_space<vmem>> -> memref<100x64xf32, #tpu.memory_space<vmem>>
      %dma_wait3A_244 = arith.constant 0 : i32
      %dma_wait3A_245 = arith.constant 0 : i32
      %dma_wait3A_246 = tpu.memref_slice %arg4[%dma_wait3A_239, %dma_wait3A_244, %dma_wait3A_245] : memref<4096x100x64xf32, #tpu.memory_space<hbm>> -> memref<1x100x64xf32, #tpu.memory_space<hbm>>
      %dma_wait3A_247 = tpu.memref_squeeze %dma_wait3A_246 : memref<1x100x64xf32, #tpu.memory_space<hbm>> -> memref<100x64xf32, #tpu.memory_space<hbm>>
      %dma_wait3A_248 = arith.constant 0 : i32
      %dma_wait3A_249 = arith.constant 0 : i32
      %dma_wait3A_250 = tpu.memref_slice %arg4[%dma_wait3A_239, %dma_wait3A_248, %dma_wait3A_249] : memref<4096x100x64xf32, #tpu.memory_space<hbm>> -> memref<1x100x64xf32, #tpu.memory_space<hbm>>
      %dma_wait3A_251 = tpu.memref_squeeze %dma_wait3A_250 : memref<1x100x64xf32, #tpu.memory_space<hbm>> -> memref<100x64xf32, #tpu.memory_space<hbm>>
      %dma_wait3A_252 = arith.constant 0 : i32
      %dma_wait3A_253 = arith.constant 0 : i32
      %dma_wait3A_254 = tpu.memref_slice %arg6[%dma_wait3A_238, %dma_wait3A_252, %dma_wait3A_253] : memref<4x100x128xf32, #tpu.memory_space<vmem>> -> memref<1x100x64xf32, #tpu.memory_space<vmem>>
      %dma_wait3A_255 = tpu.memref_squeeze %dma_wait3A_254 : memref<1x100x64xf32, #tpu.memory_space<vmem>> -> memref<100x64xf32, #tpu.memory_space<vmem>>
      tpu.wait_dma2 semaphore(%arg13 : memref<!tpu.dma_semaphore, #tpu.memory_space<semaphore_mem>>) src(%dma_wait3A_255 : memref<100x64xf32, #tpu.memory_space<vmem>>) dst(%dma_wait3A_251 : memref<100x64xf32, #tpu.memory_space<hbm>>)
      %add3A_256 = arith.constant 2 : i32
      %add3A_257 = arith.addi %mul3A_59, %add3A_256 : i32
      %add3A_258 = arith.constant 4 : i32
      %add3A_259 = arith.addi %add3A_257, %add3A_258 : i32
      %lt3A_260 = arith.constant 128 : i32
      %lt3A_261 = arith.cmpi slt, %add3A_259, %lt3A_260 : i32
      %convert_element_type3A_262 = arith.extui %lt3A_261 : i1 to i32
      %cond3A_263 = arith.constant 0 : i32
      %cond3A_264 = arith.cmpi ne, %convert_element_type3A_262, %cond3A_263 : i32
      scf.if %cond3A_264 {
        %dma_start3A_292 = arith.constant 2 : i32
        %dma_start3A_293 = arith.constant 0 : i32
        %dma_start3A_294 = arith.constant 0 : i32
        %dma_start3A_295 = tpu.memref_slice %arg6[%dma_start3A_292, %dma_start3A_293, %dma_start3A_294] : memref<4x100x128xf32, #tpu.memory_space<vmem>> -> memref<1x100x128xf32, #tpu.memory_space<vmem>>
        %dma_start3A_296 = tpu.memref_squeeze %dma_start3A_295 : memref<1x100x128xf32, #tpu.memory_space<vmem>> -> memref<100x128xf32, #tpu.memory_space<vmem>>
        %dma_start3A_297 = arith.constant 0 : i32
        %dma_start3A_298 = tpu.memref_slice %arg5[%add3A_259, %dma_start3A_297] : memref<128x100xi32, #tpu.memory_space<vmem>> -> memref<1x100xi32, #tpu.memory_space<vmem>>
        %dma_start3A_299 = tpu.memref_squeeze %dma_start3A_298 : memref<1x100xi32, #tpu.memory_space<vmem>> -> memref<100xi32, #tpu.memory_space<vmem>>
        %dma_start3A_300 = arith.constant 0 : i32
        %dma_start3A_301 = arith.constant 0 : i32
        %dma_start3A_302 = tpu.memref_slice %arg3[%dma_start3A_300, %dma_start3A_301] : memref<1000000x128xf32, #tpu.memory_space<hbm>> -> memref<1000000x128xf32, #tpu.memory_space<hbm>>
        tpu.enqueue_indirect_dma source(%dma_start3A_302 : memref<1000000x128xf32, #tpu.memory_space<hbm>>) target(%dma_start3A_296 : memref<100x128xf32, #tpu.memory_space<vmem>>) offsets(%dma_start3A_299 : memref<100xi32, #tpu.memory_space<vmem>>) semaphore(%arg9 : memref<!tpu.dma_semaphore, #tpu.memory_space<semaphore_mem>>)
      } else {
      }
      %dma_wait3A_265 = arith.constant 3 : i32
      %dma_wait3A_266 = arith.constant 0 : i32
      %dma_wait3A_267 = arith.constant 0 : i32
      %dma_wait3A_268 = arith.constant 0 : i32
      %dma_wait3A_269 = tpu.memref_slice %arg6[%dma_wait3A_265, %dma_wait3A_267, %dma_wait3A_268] : memref<4x100x128xf32, #tpu.memory_space<vmem>> -> memref<1x100x64xf32, #tpu.memory_space<vmem>>
      %dma_wait3A_270 = tpu.memref_squeeze %dma_wait3A_269 : memref<1x100x64xf32, #tpu.memory_space<vmem>> -> memref<100x64xf32, #tpu.memory_space<vmem>>
      %dma_wait3A_271 = arith.constant 0 : i32
      %dma_wait3A_272 = arith.constant 0 : i32
      %dma_wait3A_273 = tpu.memref_slice %arg4[%dma_wait3A_266, %dma_wait3A_271, %dma_wait3A_272] : memref<4096x100x64xf32, #tpu.memory_space<hbm>> -> memref<1x100x64xf32, #tpu.memory_space<hbm>>
      %dma_wait3A_274 = tpu.memref_squeeze %dma_wait3A_273 : memref<1x100x64xf32, #tpu.memory_space<hbm>> -> memref<100x64xf32, #tpu.memory_space<hbm>>
      %dma_wait3A_275 = arith.constant 0 : i32
      %dma_wait3A_276 = arith.constant 0 : i32
      %dma_wait3A_277 = tpu.memref_slice %arg4[%dma_wait3A_266, %dma_wait3A_275, %dma_wait3A_276] : memref<4096x100x64xf32, #tpu.memory_space<hbm>> -> memref<1x100x64xf32, #tpu.memory_space<hbm>>
      %dma_wait3A_278 = tpu.memref_squeeze %dma_wait3A_277 : memref<1x100x64xf32, #tpu.memory_space<hbm>> -> memref<100x64xf32, #tpu.memory_space<hbm>>
      %dma_wait3A_279 = arith.constant 0 : i32
      %dma_wait3A_280 = arith.constant 0 : i32
      %dma_wait3A_281 = tpu.memref_slice %arg6[%dma_wait3A_265, %dma_wait3A_279, %dma_wait3A_280] : memref<4x100x128xf32, #tpu.memory_space<vmem>> -> memref<1x100x64xf32, #tpu.memory_space<vmem>>
      %dma_wait3A_282 = tpu.memref_squeeze %dma_wait3A_281 : memref<1x100x64xf32, #tpu.memory_space<vmem>> -> memref<100x64xf32, #tpu.memory_space<vmem>>
      tpu.wait_dma2 semaphore(%arg14 : memref<!tpu.dma_semaphore, #tpu.memory_space<semaphore_mem>>) src(%dma_wait3A_282 : memref<100x64xf32, #tpu.memory_space<vmem>>) dst(%dma_wait3A_278 : memref<100x64xf32, #tpu.memory_space<hbm>>)
      %add3A_283 = arith.constant 3 : i32
      %add3A_284 = arith.addi %mul3A_59, %add3A_283 : i32
      %add3A_285 = arith.constant 4 : i32
      %add3A_286 = arith.addi %add3A_284, %add3A_285 : i32
      %lt3A_287 = arith.constant 128 : i32
      %lt3A_288 = arith.cmpi slt, %add3A_286, %lt3A_287 : i32
      %convert_element_type3A_289 = arith.extui %lt3A_288 : i1 to i32
      %cond3A_290 = arith.constant 0 : i32
      %cond3A_291 = arith.cmpi ne, %convert_element_type3A_289, %cond3A_290 : i32
      scf.if %cond3A_291 {
        %dma_start3A_292 = arith.constant 3 : i32
        %dma_start3A_293 = arith.constant 0 : i32
        %dma_start3A_294 = arith.constant 0 : i32
        %dma_start3A_295 = tpu.memref_slice %arg6[%dma_start3A_292, %dma_start3A_293, %dma_start3A_294] : memref<4x100x128xf32, #tpu.memory_space<vmem>> -> memref<1x100x128xf32, #tpu.memory_space<vmem>>
        %dma_start3A_296 = tpu.memref_squeeze %dma_start3A_295 : memref<1x100x128xf32, #tpu.memory_space<vmem>> -> memref<100x128xf32, #tpu.memory_space<vmem>>
        %dma_start3A_297 = arith.constant 0 : i32
        %dma_start3A_298 = tpu.memref_slice %arg5[%add3A_286, %dma_start3A_297] : memref<128x100xi32, #tpu.memory_space<vmem>> -> memref<1x100xi32, #tpu.memory_space<vmem>>
        %dma_start3A_299 = tpu.memref_squeeze %dma_start3A_298 : memref<1x100xi32, #tpu.memory_space<vmem>> -> memref<100xi32, #tpu.memory_space<vmem>>
        %dma_start3A_300 = arith.constant 0 : i32
        %dma_start3A_301 = arith.constant 0 : i32
        %dma_start3A_302 = tpu.memref_slice %arg3[%dma_start3A_300, %dma_start3A_301] : memref<1000000x128xf32, #tpu.memory_space<hbm>> -> memref<1000000x128xf32, #tpu.memory_space<hbm>>
        tpu.enqueue_indirect_dma source(%dma_start3A_302 : memref<1000000x128xf32, #tpu.memory_space<hbm>>) target(%dma_start3A_296 : memref<100x128xf32, #tpu.memory_space<vmem>>) offsets(%dma_start3A_299 : memref<100xi32, #tpu.memory_space<vmem>>) semaphore(%arg10 : memref<!tpu.dma_semaphore, #tpu.memory_space<semaphore_mem>>)
      } else {
      }
    }
    %scan3A_56 = arith.constant 32 : i32
    return
  }
}

module attributes {stable_mosaic.version = 14 : i64} {
  func.func @_linearize_body(%arg0: i32, %arg1: memref<64x8192xf32, #tpu.memory_space<vmem>>, %arg2: memref<8192x128xf32, #tpu.memory_space<vmem>>) attributes {dimension_semantics = [#tpu.dimension_semantics<arbitrary>], iteration_bounds = array<i64: 123>, scalar_prefetch = 0 : i64, scratch_operands = 0 : i64, tpu.core_type = #tpu.core_type<tc>, window_params = [{transform_indices = @transform_0, window_bounds = array<i64: 64, 8192>}, {transform_indices = @transform_1, window_bounds = array<i64: 8192, 128>}]} {
    %get3A = arith.constant 0 : index
    %get3A_0 = arith.constant 0 : index
    %get3A_1 = vector.load %arg1[%get3A, %get3A_0] : memref<64x8192xf32, #tpu.memory_space<vmem>>, vector<64x8192xf32>
    %transpose3A = tpu.transpose %get3A_1, [1, 0] : vector<64x8192xf32> -> vector<8192x64xf32>
    %swap3A = arith.constant 0 : index
    %swap3A_2 = arith.constant 0 : index
    %swap3A_3 = vector.load %arg2[%swap3A, %swap3A_2] : memref<8192x128xf32, #tpu.memory_space<vmem>>, vector<8192x64xf32>
    tpu.vector_store %arg2[%swap3A, %swap3A_2], %transpose3A {strides = array<i32>} : memref<8192x128xf32, #tpu.memory_space<vmem>>, vector<8192x64xf32>,
    return
  }
  func.func @transform_0(%arg0: i32) -> (i32, i32) {
    %c0_i32 = arith.constant 0 : i32
    %c0_i32_0 = arith.constant 0 : i32
    return %c0_i32, %arg0 : i32, i32
  }
  func.func @transform_1(%arg0: i32) -> (i32, i32) {
    %c0_i32 = arith.constant 0 : i32
    %c0_i32_0 = arith.constant 0 : i32
    return %arg0, %c0_i32 : i32, i32
  }
}

</mosaic_0001>

<sc_bundles>
// kernel: kernel.5.cloned.1.call-start
scs
__scs_entry_jumppad:
0x0: {  	(pc) =	sbr.rel $0x88, $3  }
0x1: {  	(tag) =	ssettag $0x0;
	lr =	simm.s32 $0x1  }
0x2: {  	[smem:$0x3F9F] =	sst lr;
	_ =	strace $0xD0000000  }
0x3: {  	_ = 	snop  }
0x4: {  	_ = 	snop  }
0x5: {  	_ = 	snop  }
0x6: {  	_ = 	snop  }
0x7: {  	_ = 	snop  }
__scs_overlays_trampoline_lowered:
0x8: {  	[smem:$0x3FAE] =	sst s0  }
0x9: {  	[smem:$0x3FAF] =	sst s1  }
0xa: {  	[smem:$0x3FB0] =	sst s2  }
0xb: {  	[smem:$0x3FB1] =	sst s3  }
0xc: {  	[smem:$0x3FB2] =	sst s4  }
0xd: {  	[smem:$0x3FB3] =	sst s5  }
0xe: {  	[smem:$0x3FB4] =	sst s6  }
0xf: {  	[smem:$0x3FB5] =	sst s7  }
0x10: {  	[smem:$0x3FB6] =	sst s8  }
0x11: {  	[smem:$0x3FB7] =	sst s9;
	s0 =	simm.s32 @!p0 $0x0  }
0x12: {  	s1 =	sld [smem:$0x3F9D];
	s0 =	simm.s32 @p0 $0x1  }
0x13: {  	[smem:$0x3FB8] =	sst s0;
	s0 =	simm.s32 @!p1 $0x0  }
0x14: {  	s2 =	sld [smem:$0x3F9C];
	s0 =	simm.s32 @p1 $0x1  }
0x15: {  	[smem:$0x3FB9] =	sst s0;
	s0 =	simm.s32 @!p2 $0x0  }
0x16: {  	s3 =	sld [smem:$0x3FDB];
	s0 =	simm.s32 @p2 $0x1  }
0x17: {  	s4 =	simm.s32 $0x1BF5;
	[smem:$0x3FBB] =	sst s0  }
0x18: {  	s0 =	sld [smem:$0x3F9E];
	_ =	swait.ge [sflag:s4], $0x0  }
0x19: {  	s7 =	sld [smem:$0x3F9F]  }
0x1a: {  	s8 =	sadd.s32 $0xFFFFE003, lr  }
0x1b: {  	s9 =	sadd.s32 $0xFFFFFEF7, lr;
	s5 =	simm.s32 $0xFFFFFFFF;
	p2 =	slt.u32 s8, $0xFFFFF086  }
0x1c: {  	p1 =	slt.u32 s9, $0xF7A;
	s5 =	simm.s32 @!p2 $0x0  }
0x1d: {  	s5 =	simm.s32 @p1 $0x1;
	p0 =	seq.s32 s7, s2  }
0x1e: {  	s7 =	smul.u32 @!p0 $0xF7A, s2;
	p2 =	seq.s32 @!p0 s5, $0x0  }
0x1f: {  	s9 =	smul.u32 $0xF7A, s1;
	s8 =	simm.s32 @!p0 $0x1BF5;
	p2 =	por !p2, p0  }
0x20: {  	[sflag:s8] =	ssyncset.s32 @!p0 $0xFFFFF086;
	s6 =	sadd.s32 @!p0 s3, s7;
	s7 =	simm.s32 @!p0 $0x108  }
0x21: {  	s3 =	sadd.s32 s3, s9;
	s6 =	sadd.s32 @!p0 $0x88, s6;
	s7 =	simm.s32 @p2 $0x1082  }
0x22: {  	[simem:s7], [sflag:s8] =	dma.local @!p0 [hbm:s6], $0xF7A  }
0x23: {  	s9 =	sor.u32 $0xD0000000, s2;
	s6 =	simm.s32 $0x108;
	_ =	swait.ge @!p0 [sflag:s8], $0x0  }
0x24: {  	s3 =	sadd.s32 $0x88, s3;
	s6 =	simm.s32 @!p1 $0x1082;
	[sflag:s4] =	ssyncset.s32 $0xFFFFF086  }
0x25: {  	[simem:s6], [sflag:s4] =	dma.local [hbm:s3], $0xF7A  }
0x26: {  	[smem:$0x3F9F] =	sst s1;
	(tag) =	ssettag s2;
	_ =	strace s9  }
0x27: {  	s1 =	sld [smem:$0x3FAF]  }
0x28: {  	s2 =	sld [smem:$0x3FB0]  }
0x29: {  	s4 =	sld [smem:$0x3FB2]  }
0x2a: {  	p0 =	seq.s32 s5, $0x0;
	s5 =	sld [smem:$0x3FB3]  }
0x2b: {  	s6 =	sld [smem:$0x3FB4]  }
0x2c: {  	s7 =	sld [smem:$0x3FB5]  }
0x2d: {  	s3 =	simm.s32 $0x108;
	s8 =	sld [smem:$0x3FB6]  }
0x2e: {  	s3 =	simm.s32 @!p0 $0x1082;
	s9 =	sld [smem:$0x3FB7]  }
0x2f: {  	lr =	sadd.s32 s0, s3;
	s0 =	sld [smem:$0x3FAE]  }
0x30: {  	s3 =	sld [smem:$0x3FB1]  }
0x31: {  	[smem:$0x3FBA] =	sst s10  }
0x32: {  	s10 =	sld [smem:$0x3FB8];
	_ =	sdelay $0x3  }
0x33: {  	p0 =	seq.s32 s10, $0x1;
	s10 =	sld [smem:$0x3FBA];
	_ =	sdelay $0x3  }
0x34: {  	[smem:$0x3FBA] =	sst s10  }
0x35: {  	s10 =	sld [smem:$0x3FB9];
	_ =	sdelay $0x3  }
0x36: {  	p1 =	seq.s32 s10, $0x1;
	s10 =	sld [smem:$0x3FBA];
	_ =	sdelay $0x3  }
0x37: {  	[smem:$0x3FBA] =	sst s10  }
0x38: {  	s10 =	sld [smem:$0x3FBB]  }
0x39: {  	_ = 	snop;
	(pc) =	sbr.ind lr, $3  }
0x3a: {  	_ = 	snop  }
0x3b: {  	_ = 	snop  }
0x3c: {  	p2 =	seq.s32 s10, $0x1;
	s10 =	sld [smem:$0x3FBA]  }
0x3d: {  	_ =	shalt  }
0x3e: {  	_ =	shalt  }
0x3f: {  	_ =	shalt  }
0x40: {  	_ =	shalt  }
0x41: {  	_ =	shalt  }
0x42: {  	_ =	shalt  }
0x43: {  	_ =	shalt  }
0x44: {  	_ =	shalt  }
0x45: {  	_ =	shalt  }
0x46: {  	_ =	shalt  }
0x47: {  	_ =	shalt  }
0x48: {  	_ =	shalt  }
0x49: {  	_ =	shalt  }
0x4a: {  	_ =	shalt  }
0x4b: {  	_ =	shalt  }
0x4c: {  	_ =	shalt  }
0x4d: {  	_ =	shalt  }
0x4e: {  	_ =	shalt  }
0x4f: {  	_ =	shalt  }
0x50: {  	_ =	shalt  }
0x51: {  	_ =	shalt  }
0x52: {  	_ =	shalt  }
0x53: {  	_ =	shalt  }
0x54: {  	_ =	shalt  }
0x55: {  	_ =	shalt  }
0x56: {  	_ =	shalt  }
0x57: {  	_ =	shalt  }
0x58: {  	_ =	shalt  }
0x59: {  	_ =	shalt  }
0x5a: {  	_ =	shalt  }
0x5b: {  	_ =	shalt  }
0x5c: {  	_ =	shalt  }
0x5d: {  	_ =	shalt  }
0x5e: {  	_ =	shalt  }
0x5f: {  	_ =	shalt  }
0x60: {  	_ =	shalt  }
0x61: {  	_ =	shalt  }
0x62: {  	_ =	shalt  }
0x63: {  	_ =	shalt  }
0x64: {  	_ =	shalt  }
0x65: {  	_ =	shalt  }
0x66: {  	_ =	shalt  }
0x67: {  	_ =	shalt  }
0x68: {  	_ =	shalt  }
0x69: {  	_ =	shalt  }
0x6a: {  	_ =	shalt  }
0x6b: {  	_ =	shalt  }
0x6c: {  	_ =	shalt  }
0x6d: {  	_ =	shalt  }
0x6e: {  	_ =	shalt  }
0x6f: {  	_ =	shalt  }
0x70: {  	_ =	shalt  }
0x71: {  	_ =	shalt  }
0x72: {  	_ =	shalt  }
0x73: {  	_ =	shalt  }
0x74: {  	_ =	shalt  }
0x75: {  	_ =	shalt  }
0x76: {  	_ =	shalt  }
0x77: {  	_ =	shalt  }
0x78: {  	_ =	shalt  }
0x79: {  	_ =	shalt  }
0x7a: {  	_ =	shalt  }
0x7b: {  	_ =	shalt  }
0x7c: {  	_ =	shalt  }
0x7d: {  	_ =	shalt  }
0x7e: {  	_ =	shalt  }
0x7f: {  	_ =	shalt  }
0x80: {  	_ =	shalt  }
0x81: {  	_ =	shalt  }
0x82: {  	_ =	shalt  }
0x83: {  	_ =	shalt  }
0x84: {  	_ =	shalt  }
0x85: {  	_ =	shalt  }
0x86: {  	_ =	shalt  }
0x87: {  	_ =	shalt  }
.Lfunc_end0:
.L_simem_size_0:
called_computation.1_lowered:
.L_overlay_start_0:
0x88: {  	s2 =	sld [smem:$0x3FD9]  }
0x89: {  	s3 =	sld [smem:$0x3FFE];
	_ =	sdelay $0x1  }
0x8a: {  	s1 =	srdreg.scid  }
0x8b: {  	s0 =	sand.u32 $0x1, s1  }
0x8c: {  	s16 =	sshll.u32 s0, $0xA;
	s2 =	sadd.s32 s3, s2  }
0x8d: {  	s2 =	sadd.s32 s2, s16  }
0x8e: {  	[smem:$0x3FC6] =	sst s2  }
0x8f: {  	_ = 	snop  }
0x90: {  	(tm) =	ssettm $0x1  }
0x91: {  	s17 =	sld [smem:$0x3FFB];
	_ =	sdelay $0x3  }
0x92: {  	_ =	strace s17  }
0x93: {  	s2 =	sld [smem:$0x3FFC];
	_ =	sdelay $0x3  }
0x94: {  	_ =	strace s2  }
0x95: {  	s2 =	sld [smem:$0x3FFD];
	_ =	sdelay $0x3  }
0x96: {  	_ =	strace s2  }
0x97: {  	_ =	strace $0x8FFFFFFF  }
0x98: {  	s18 =	sld [smem:$0x3FDB];
	_ =	sdelay $0x1  }
0x99: {  	s19 =	simm.s32 $_scs_section_size  }
0x9a: {  	s4 =	simm.s32 $_size__tile_overlayer_lowered;
	s5 =	simm.s32 $_tile_overlayer_lowered  }
0x9b: {  	s22 =	simm.s32 $0x1BFF;
	s21 =	sshll.u32 s5, $0x1;
	s2 =	sadd.s32 s19, s18  }
0x9c: {  	s6 =	simm.s32 $0x0;
	s20 =	sshll.u32 s4, $0x1;
	s4 =	sadd.s32 s21, s2  }
0x9d: {  	[timem:s6], [sflag:s22] =	dma.local [hbm:s4], s20  }
0x9e: {  	_ =	swait.ge [sflag:s22], s20  }
0x9f: {  	s3 =	ssub.s32 $0x0, s20;
	[sflag:s22] =	ssyncset.done $0x0  }
0xa0: {  	[sflag:s22] =	ssyncadd.s32 s3;
	_ =	sdelay $0x1  }
0xa1: {  	s23 =	simm.s32 $0x1B8B  }
0xa2: {  	_ =	swait.ge [sflag:s23], $0x1  }
0xa3: {  	[sflag:s23] =	ssyncset.done $0x0  }
0xa4: {  	s25 =	simm.s32 $0x1B8E;
	s24 =	sld [smem:$0x3FFE];
	[sflag:s23] =	ssyncadd.s32 $0xFFFFFFFF  }
0xa5: {  	s26 =	simm.s32 $execute0_lowered;
	[smem:$0x3FD2] =	sst s25  }
0xa6: {  	s4 =	sshll.u32 s26, $0x1;
	_ =	strace $0x80000046;
	[dreg:$0x1] =	wrdreg $0xFFFFFFFF  }
0xa7: {  	s28 =	simm.s32 $_size_execute0_lowered;
	s2 =	sadd.s32 s2, s4;
	[dreg:$0x0] =	wrdreg $0x0  }
0xa8: {  	s4 =	sshll.u32 s28, $0x1;
	[dreg:$0x2] =	wrdreg s2  }
0xa9: {  	[dreg:$0x3] =	wrdreg s4  }
0xaa: {  	[dreg:$0x4] =	wrdreg $0xC0  }
0xab: {  	_ =	task [dreg:s6], $0x5FFFF  }
0xac: {  	[dreg:$0x1] =	wrdreg $0xFFFFFFFF  }
0xad: {  	[dreg:$0x0] =	wrdreg $0x60  }
0xae: {  	[dreg:$0x2] =	wrdreg s24  }
0xaf: {  	[dreg:$0x3] =	wrdreg $0x9  }
0xb0: {  	_ =	task.clear_ibuf [dreg:s6], $0x4FFFF;
	_ =	strace $0x90000046  }
0xb1: {  	s29 =	simm.s32 $0x9;
	_ =	strace $0x80000048  }
0xb2: {  	_ =	swait.ge [sflag:s29], $0x1  }
0xb3: {  	[sflag:s29] =	ssyncadd.s32 $0xFFFFFFFF  }
0xb4: {  	_ =	strace $0x90000048  }
0xb5: {  	_ =	sfence  }
0xb6: {  	s30 =	sld [smem:$0x0];
	_ =	sdelay $0x2  }
0xb7: {  	s31 =	sshll.u32 s1, $0xD;
	s1 =	sshrl.u32 s1, $0x2  }
0xb8: {  	s3 =	sand.u32 $0x4000, s31;
	s1 =	sadd.s32 s1, s30  }
0xb9: {  	s0 =	sor.u32 s3, s0;
	s1 =	sshll.u32 s1, $0x11  }
0xba: {  	s0 =	sor.u32 s1, s0  }
0xbb: {  	s0 =	sadd.s32 $0x8F2B, s0  }
0xbc: {  	[sflag:s0] =	ssyncadd.remote.s32 $0x1  }
0xbd: {  	_ =	sfence.sel $0xFFFF  }
0xbe: {  	[dreg:$0x0] =	wrdreg $0xFFFFFFFF;
	(pc) =	sbr.abs _section_cstart, $3  }
0xbf: {  	[dreg:$0x1] =	wrdreg $0xFFFFFFFF  }
0xc0: {  	_ =	task.clear_ibuf [dreg:s6], $0x2FFFF;
	_ =	strace $0x9FFFFFFF  }
0xc1: {  	(tm) =	ssettm $0x7FFFFFFF  }
tec
execute0_lowered:
.L_overlay_start_1:
0x0: {  	(tag) =	ssettag $0x1  }
0x1: {  	s0 =	srdreg.scid;
	s2 =	stileid.u32  }
0x2: {  	s1 =	rddreg [dreg:$0x0];
	s8 =	simm.s32 $0x9;
	s9 =	simm.s32 $0x64  }
0x3: {  	s10 =	simm.s32 $0x3400;
	s11 =	simm.s32 $0x68;
	s12 =	simm.s32 $0x6600  }
0x4: {  	s13 =	simm.s32 $0xD0;
	s14 =	simm.s32 $0x9800;
	s15 =	simm.s32 $0x138  }
0x5: {  	s16 =	simm.s32 $0xCA00;
	s17 =	simm.s32 $0x1;
	s18 =	simm.s32 $0x2  }
0x6: {  	s19 =	simm.s32 $0x3;
	s20 =	simm.s32 $0x4;
	s21 =	simm.s32 $0x5  }
0x7: {  	s22 =	simm.s32 $0x6;
	s23 =	simm.s32 $0x7;
	s0 =	sand.u32 $0x1, s0  }
0x8: {  	s24 =	simm.s32 $0x8;
	s3 =	sshll.u32 s2, $0x8;
	s4 =	sshll.u32 s0, $0x7  }
.Ltmp0:
0x9: {  	s2 =	simm.s32 $0x0;
	s3 =	sor.u32 s4, s3;
	(pc) =	sbr.rel .LBB2_1-.Ltmp0, $4  }
0xa: {  	[smem:$0x7FF] =	sst s2;
	s0 =	ssub.s32 $0x2, s0;
	s4 =	smul.u32 $0xD, s3  }
0xb: {  	s25 =	simm.s32 $0x0;
	_ =	strace $0x80000047;
	s5 =	sshrl.u32 s0, $0x1  }
0xc: {  	s0 =	ssub.s32 s0, s5;
	s5 =	sadd.s32 $0xF50400, s1;
	s6 =	sadd.s32 s4, s1  }
0xd: {  	s7 =	smax.u32 s0, $0x1;
	s4 =	sadd.s32 $0xE000, s1;
	s6 =	sadd.s32 $0x1000, s6  }
.LBB2_12:
0xe: {  	_ =	swait.ge [sflag:s22], $0x1900  }
0xf: {  	[sflag:s22] =	ssyncset.done $0x0  }
0x10: {  	s25 =	sadd.s32 $0x1, s25;
	[sflag:s22] =	ssyncadd.s32 $0xFFFFE700  }
0x11: {  	p0 =	sne.s32 s25, s7;
	_ =	swait.ge [sflag:s23], $0x1900  }
.Ltmp1:
0x12: {  	[sflag:s23] =	ssyncset.done $0x0;
	(pc) =	sbr.rel @!p0 .LBB2_13-.Ltmp1, $4  }
0x13: {  	[sflag:s23] =	ssyncadd.s32 $0xFFFFE700  }
0x14: {  	_ =	swait.ge [sflag:s24], $0x1900  }
0x15: {  	[sflag:s24] =	ssyncset.done $0x0  }
0x16: {  	[sflag:s24] =	ssyncadd.s32 $0xFFFFE700  }
.LBB2_1:
0x17: {  	[tilespmem:s2], [sflag:$0x9] =	stream.linear.gather [hbm4b:s6+s2], $0x3400, $0x38;
	[tilespmem:$0xFC00] =	vst v63  }
0x18: {  	_ =	swait.ge [sflag:s8], $0x3400  }
0x19: {  	[sflag:s8] =	ssyncset.done $0x0  }
0x1a: {  	[sflag:s8] =	ssyncadd.s32 $0xFFFFCC00  }
0x1b: {  	[tilespmem:s10], [sflag:$0x1] =	stream.indirect.gather [hbm4b:s4+s9], $0x80, s2, s9, $0xb8;
	[tilespmem:$0xFC00] =	vst v63  }
0x1c: {  	_ = 	snop  }
0x1d: {  	[tilespmem:s12], [sflag:$0x2] =	stream.indirect.gather [hbm4b:s4+s9], $0x80, s11, s9, $0xb8;
	[tilespmem:$0xFC00] =	vst v63  }
0x1e: {  	_ = 	snop  }
0x1f: {  	[tilespmem:s14], [sflag:$0x3] =	stream.indirect.gather [hbm4b:s4+s9], $0x80, s13, s9, $0xb8;
	[tilespmem:$0xFC00] =	vst v63  }
0x20: {  	s26 =	simm.s32 $0x0  }
0x21: {  	[tilespmem:s16], [sflag:$0x4] =	stream.indirect.gather [hbm4b:s4+s9], $0x80, s15, s9, $0xb8;
	[tilespmem:$0xFC00] =	vst v63  }
.LBB2_2:
0x22: {  	s0 =	sshll.u32 s26, $0x2  }
0x23: {  	s28 =	sadd.s32 s3, s0  }
0x24: {  	s0 =	smul.u32 $0x320, s28  }
0x25: {  	_ =	swait.ge [sflag:s17], $0x3200;
	s30 =	simm.s32 $0x3400  }
0x26: {  	s31 =	simm.s32 $0x8;
	[sflag:s17] =	ssyncset.done $0x0;
	s29 =	sadd.s32 s5, s0  }
0x27: {  	s1 =	simm.s32 $0x3480;
	[sflag:s17] =	ssyncadd.s32 $0xFFFFCE00;
	s0 =	sadd.s32 $0x0, s29  }
.LBB2_3:
0x28: {  	[hbm4b:s0+s2] =	stream.linear.scatter [tilespmem:s30], [sflag:$0x5], $0x40, $0x38;
	[tilespmem:$0xFC00] =	vst v63  }
0x29: {  	s0 =	smov.u32 s31;
	s30 =	smov.u32 s1;
	p0 =	sne.s32 s31, $0x318  }
.Ltmp2:
0x2a: {  	s31 =	sadd.s32 $0x8, s31;
	(pc) =	sbr.rel @p0 .LBB2_3-.Ltmp2, $2  }
0x2b: {  	_ =	sdelay $0x2  }
0x2c: {  	s1 =	sadd.s32 $0x80, s1;
	s0 =	sadd.s32 s0, s29  }
0x2d: {  	s1 =	smul.u32 $0x1900, s28  }
0x2e: {  	[hbm4b:s0+s2] =	stream.linear.scatter [tilespmem:s30], [sflag:$0x5], $0x40, $0x38;
	[tilespmem:$0xFC00] =	vst v63  }
0x2f: {  	s1 =	sshrl.u32 s1, $0x3  }
0x30: {  	s30 =	simm.s32 $0x6600;
	_ =	swait.ge [sflag:s18], $0x3200;
	s28 =	sadd.s32 s5, s1  }
0x31: {  	s31 =	simm.s32 $0x8;
	[sflag:s18] =	ssyncset.done $0x0;
	s29 =	sadd.s32 $0x320, s28  }
0x32: {  	[sflag:s18] =	ssyncadd.s32 $0xFFFFCE00;
	s1 =	simm.s32 $0x6680;
	s0 =	sadd.s32 $0x0, s29  }
.LBB2_5:
0x33: {  	[hbm4b:s0+s2] =	stream.linear.scatter [tilespmem:s30], [sflag:$0x6], $0x40, $0x38;
	[tilespmem:$0xFC00] =	vst v63  }
0x34: {  	s0 =	smov.u32 s31;
	s30 =	smov.u32 s1;
	p0 =	sne.s32 s31, $0x318  }
.Ltmp3:
0x35: {  	s31 =	sadd.s32 $0x8, s31;
	(pc) =	sbr.rel @p0 .LBB2_5-.Ltmp3, $2  }
0x36: {  	_ =	sdelay $0x2  }
0x37: {  	s1 =	sadd.s32 $0x80, s1;
	s0 =	sadd.s32 s0, s29  }
0x38: {  	[hbm4b:s0+s2] =	stream.linear.scatter [tilespmem:s30], [sflag:$0x6], $0x40, $0x38;
	[tilespmem:$0xFC00] =	vst v63  }
0x39: {  	s29 =	sadd.s32 $0x640, s28;
	_ =	swait.ge [sflag:s19], $0x3200  }
0x3a: {  	s30 =	simm.s32 $0x9800;
	s31 =	simm.s32 $0x8;
	[sflag:s19] =	ssyncset.done $0x0  }
0x3b: {  	s1 =	simm.s32 $0x9880;
	s0 =	sadd.s32 $0x0, s29;
	[sflag:s19] =	ssyncadd.s32 $0xFFFFCE00  }
.LBB2_7:
0x3c: {  	[hbm4b:s0+s2] =	stream.linear.scatter [tilespmem:s30], [sflag:$0x7], $0x40, $0x38;
	[tilespmem:$0xFC00] =	vst v63  }
0x3d: {  	s0 =	smov.u32 s31;
	s30 =	smov.u32 s1;
	p0 =	sne.s32 s31, $0x318  }
.Ltmp4:
0x3e: {  	s31 =	sadd.s32 $0x8, s31;
	(pc) =	sbr.rel @p0 .LBB2_7-.Ltmp4, $2  }
0x3f: {  	_ =	sdelay $0x2  }
0x40: {  	s1 =	sadd.s32 $0x80, s1;
	s0 =	sadd.s32 s0, s29  }
0x41: {  	[hbm4b:s0+s2] =	stream.linear.scatter [tilespmem:s30], [sflag:$0x7], $0x40, $0x38;
	[tilespmem:$0xFC00] =	vst v63  }
0x42: {  	s28 =	sadd.s32 $0x960, s28;
	_ =	swait.ge [sflag:s20], $0x3200  }
0x43: {  	s29 =	simm.s32 $0xCA00;
	s30 =	simm.s32 $0x8;
	[sflag:s20] =	ssyncset.done $0x0  }
0x44: {  	s1 =	simm.s32 $0xCA80;
	s0 =	sadd.s32 $0x0, s28;
	[sflag:s20] =	ssyncadd.s32 $0xFFFFCE00  }
.LBB2_9:
0x45: {  	[hbm4b:s0+s2] =	stream.linear.scatter [tilespmem:s29], [sflag:$0x8], $0x40, $0x38;
	[tilespmem:$0xFC00] =	vst v63  }
0x46: {  	s0 =	smov.u32 s30;
	s29 =	smov.u32 s1;
	p0 =	sne.s32 s30, $0x318  }
.Ltmp5:
0x47: {  	s30 =	sadd.s32 $0x8, s30;
	(pc) =	sbr.rel @p0 .LBB2_9-.Ltmp5, $2  }
0x48: {  	_ =	sdelay $0x2  }
0x49: {  	s1 =	sadd.s32 $0x80, s1;
	s0 =	sadd.s32 s0, s28  }
0x4a: {  	p0 =	seq.s32 s26, $0x1F  }
.Ltmp6:
0x4b: {  	_ = 	snop;
	(pc) =	sbr.rel @p0 .LBB2_12-.Ltmp6, $4  }
0x4c: {  	[hbm4b:s0+s2] =	stream.linear.scatter [tilespmem:s29], [sflag:$0x8], $0x40, $0x38;
	[tilespmem:$0xFC00] =	vst v63  }
0x4d: {  	_ =	swait.ge [sflag:s21], $0x1900  }
0x4e: {  	[sflag:s21] =	ssyncset.done $0x0  }
0x4f: {  	[sflag:s21] =	ssyncadd.s32 $0xFFFFE700  }
0x50: {  	s0 =	smul.u32 $0x680, s26;
	_ =	sdelay $0x1  }
0x51: {  	s0 =	sshra.s32 s0, $0x2  }
0x52: {  	s1 =	sadd.s32 $0x1A0, s0  }
0x53: {  	[tilespmem:s10], [sflag:$0x1] =	stream.indirect.gather [hbm4b:s4+s9], $0x80, s1, s9, $0xb8;
	[tilespmem:$0xFC00] =	vst v63  }
0x54: {  	_ =	swait.ge [sflag:s22], $0x1900  }
0x55: {  	[sflag:s22] =	ssyncset.done $0x0  }
0x56: {  	s30 =	sadd.s32 $0x208, s0;
	[sflag:s22] =	ssyncadd.s32 $0xFFFFE700  }
0x57: {  	[tilespmem:s12], [sflag:$0x2] =	stream.indirect.gather [hbm4b:s4+s9], $0x80, s30, s9, $0xb8;
	[tilespmem:$0xFC00] =	vst v63  }
0x58: {  	_ =	swait.ge [sflag:s23], $0x1900  }
0x59: {  	[sflag:s23] =	ssyncset.done $0x0  }
0x5a: {  	s31 =	sadd.s32 $0x270, s0;
	[sflag:s23] =	ssyncadd.s32 $0xFFFFE700  }
0x5b: {  	[tilespmem:s14], [sflag:$0x3] =	stream.indirect.gather [hbm4b:s4+s9], $0x80, s31, s9, $0xb8;
	[tilespmem:$0xFC00] =	vst v63  }
.Ltmp7:
0x5c: {  	_ = 	snop;
	(pc) =	sbr.rel .LBB2_2-.Ltmp7, $4  }
0x5d: {  	_ =	swait.ge [sflag:s24], $0x1900  }
0x5e: {  	[sflag:s24] =	ssyncset.done $0x0  }
0x5f: {  	s26 =	sadd.s32 $0x1, s26;
	s0 =	sadd.s32 $0x2D8, s0;
	[sflag:s24] =	ssyncadd.s32 $0xFFFFE700  }
0x60: {  	[tilespmem:s16], [sflag:$0x4] =	stream.indirect.gather [hbm4b:s4+s9], $0x80, s0, s9, $0xb8;
	[tilespmem:$0xFC00] =	vst v63  }
.LBB2_13:
0x61: {  	_ =	sfence.sel $0x180000  }
0x62: {  	[bflag:$0x0] =	sbarrier.arrive $0xFFFF  }
0x63: {  	_ =	strace $0x90000047  }
0x64: {  	s0 =	stileid.u32;
	[bflag:$0x2] =	sbarrier.arrive $0xFFFF  }
0x65: {  	p0 =	sne.s32 s0, $0x0;
	s0 =	rddreg [dreg:$0x1]  }
0x66: {  	s0 =	sadd.s32 @!p0 $0x100000, s0  }
0x67: {  	[sflag:s0] =	ssyncadd.tile.s32 @!p0 $0x1;
	_ =	shalt  }
.Lfunc_end2:
_tile_overlayer_lowered:
.L_overlay_start_2:
0x68: {  	(tag) =	ssettag $0x2  }
0x69: {  	s0 =	rddreg [dreg:$0x0];
	s2 =	stileid.u32  }
0x6a: {  	s1 =	rddreg [dreg:$0x1];
	p0 =	sne.s32 s2, $0x0  }
0x6b: {  	s3 =	rddreg [dreg:$0x2];
	[bflag:$0x3] =	sbarrier.arrive $0xFFFF;
	s2 =	simm.s32 @!p0 $0x1C09  }
0x6c: {  	[timem:s3], [sflag:s2] =	dma.local @!p0 [hbm:s0], s1  }
0x6d: {  	s0 =	simm.s32 @!p0 $0x9  }
0x6e: {  	_ =	swait.ge @!p0 [sflag:s0], s1  }
0x6f: {  	s1 =	ssub.s32 @!p0 $0x0, s1;
	[sflag:s0] =	ssyncset.done @!p0 $0x0  }
0x70: {  	[sflag:s0] =	ssyncadd.s32 @!p0 s1  }
0x71: {  	[bflag:$0x3] =	sbarrier.arrive $0xFFFF  }
0x72: {  	_ =	shalt  }

// kernel: kernel.8.cloned.1.call-start
scs
__scs_entry_jumppad:
0x0: {  	(pc) =	sbr.rel $0x88, $3  }
0x1: {  	(tag) =	ssettag $0x0;
	lr =	simm.s32 $0x1  }
0x2: {  	[smem:$0x3F9F] =	sst lr;
	_ =	strace $0xD0000000  }
0x3: {  	_ = 	snop  }
0x4: {  	_ = 	snop  }
0x5: {  	_ = 	snop  }
0x6: {  	_ = 	snop  }
0x7: {  	_ = 	snop  }
__scs_overlays_trampoline_lowered:
0x8: {  	[smem:$0x3FAE] =	sst s0  }
0x9: {  	[smem:$0x3FAF] =	sst s1  }
0xa: {  	[smem:$0x3FB0] =	sst s2  }
0xb: {  	[smem:$0x3FB1] =	sst s3  }
0xc: {  	[smem:$0x3FB2] =	sst s4  }
0xd: {  	[smem:$0x3FB3] =	sst s5  }
0xe: {  	[smem:$0x3FB4] =	sst s6  }
0xf: {  	[smem:$0x3FB5] =	sst s7  }
0x10: {  	[smem:$0x3FB6] =	sst s8  }
0x11: {  	[smem:$0x3FB7] =	sst s9;
	s0 =	simm.s32 @!p0 $0x0  }
0x12: {  	s1 =	sld [smem:$0x3F9D];
	s0 =	simm.s32 @p0 $0x1  }
0x13: {  	[smem:$0x3FB8] =	sst s0;
	s0 =	simm.s32 @!p1 $0x0  }
0x14: {  	s2 =	sld [smem:$0x3F9C];
	s0 =	simm.s32 @p1 $0x1  }
0x15: {  	[smem:$0x3FB9] =	sst s0;
	s0 =	simm.s32 @!p2 $0x0  }
0x16: {  	s3 =	sld [smem:$0x3FDB];
	s0 =	simm.s32 @p2 $0x1  }
0x17: {  	s4 =	simm.s32 $0x1BF5;
	[smem:$0x3FBB] =	sst s0  }
0x18: {  	s0 =	sld [smem:$0x3F9E];
	_ =	swait.ge [sflag:s4], $0x0  }
0x19: {  	s7 =	sld [smem:$0x3F9F]  }
0x1a: {  	s8 =	sadd.s32 $0xFFFFE003, lr  }
0x1b: {  	s9 =	sadd.s32 $0xFFFFFEF7, lr;
	s5 =	simm.s32 $0xFFFFFFFF;
	p2 =	slt.u32 s8, $0xFFFFF086  }
0x1c: {  	p1 =	slt.u32 s9, $0xF7A;
	s5 =	simm.s32 @!p2 $0x0  }
0x1d: {  	s5 =	simm.s32 @p1 $0x1;
	p0 =	seq.s32 s7, s2  }
0x1e: {  	s7 =	smul.u32 @!p0 $0xF7A, s2;
	p2 =	seq.s32 @!p0 s5, $0x0  }
0x1f: {  	s9 =	smul.u32 $0xF7A, s1;
	s8 =	simm.s32 @!p0 $0x1BF5;
	p2 =	por !p2, p0  }
0x20: {  	[sflag:s8] =	ssyncset.s32 @!p0 $0xFFFFF086;
	s6 =	sadd.s32 @!p0 s3, s7;
	s7 =	simm.s32 @!p0 $0x108  }
0x21: {  	s3 =	sadd.s32 s3, s9;
	s6 =	sadd.s32 @!p0 $0x88, s6;
	s7 =	simm.s32 @p2 $0x1082  }
0x22: {  	[simem:s7], [sflag:s8] =	dma.local @!p0 [hbm:s6], $0xF7A  }
0x23: {  	s9 =	sor.u32 $0xD0000000, s2;
	s6 =	simm.s32 $0x108;
	_ =	swait.ge @!p0 [sflag:s8], $0x0  }
0x24: {  	s3 =	sadd.s32 $0x88, s3;
	s6 =	simm.s32 @!p1 $0x1082;
	[sflag:s4] =	ssyncset.s32 $0xFFFFF086  }
0x25: {  	[simem:s6], [sflag:s4] =	dma.local [hbm:s3], $0xF7A  }
0x26: {  	[smem:$0x3F9F] =	sst s1;
	(tag) =	ssettag s2;
	_ =	strace s9  }
0x27: {  	s1 =	sld [smem:$0x3FAF]  }
0x28: {  	s2 =	sld [smem:$0x3FB0]  }
0x29: {  	s4 =	sld [smem:$0x3FB2]  }
0x2a: {  	p0 =	seq.s32 s5, $0x0;
	s5 =	sld [smem:$0x3FB3]  }
0x2b: {  	s6 =	sld [smem:$0x3FB4]  }
0x2c: {  	s7 =	sld [smem:$0x3FB5]  }
0x2d: {  	s3 =	simm.s32 $0x108;
	s8 =	sld [smem:$0x3FB6]  }
0x2e: {  	s3 =	simm.s32 @!p0 $0x1082;
	s9 =	sld [smem:$0x3FB7]  }
0x2f: {  	lr =	sadd.s32 s0, s3;
	s0 =	sld [smem:$0x3FAE]  }
0x30: {  	s3 =	sld [smem:$0x3FB1]  }
0x31: {  	[smem:$0x3FBA] =	sst s10  }
0x32: {  	s10 =	sld [smem:$0x3FB8];
	_ =	sdelay $0x3  }
0x33: {  	p0 =	seq.s32 s10, $0x1;
	s10 =	sld [smem:$0x3FBA];
	_ =	sdelay $0x3  }
0x34: {  	[smem:$0x3FBA] =	sst s10  }
0x35: {  	s10 =	sld [smem:$0x3FB9];
	_ =	sdelay $0x3  }
0x36: {  	p1 =	seq.s32 s10, $0x1;
	s10 =	sld [smem:$0x3FBA];
	_ =	sdelay $0x3  }
0x37: {  	[smem:$0x3FBA] =	sst s10  }
0x38: {  	s10 =	sld [smem:$0x3FBB]  }
0x39: {  	_ = 	snop;
	(pc) =	sbr.ind lr, $3  }
0x3a: {  	_ = 	snop  }
0x3b: {  	_ = 	snop  }
0x3c: {  	p2 =	seq.s32 s10, $0x1;
	s10 =	sld [smem:$0x3FBA]  }
0x3d: {  	_ =	shalt  }
0x3e: {  	_ =	shalt  }
0x3f: {  	_ =	shalt  }
0x40: {  	_ =	shalt  }
0x41: {  	_ =	shalt  }
0x42: {  	_ =	shalt  }
0x43: {  	_ =	shalt  }
0x44: {  	_ =	shalt  }
0x45: {  	_ =	shalt  }
0x46: {  	_ =	shalt  }
0x47: {  	_ =	shalt  }
0x48: {  	_ =	shalt  }
0x49: {  	_ =	shalt  }
0x4a: {  	_ =	shalt  }
0x4b: {  	_ =	shalt  }
0x4c: {  	_ =	shalt  }
0x4d: {  	_ =	shalt  }
0x4e: {  	_ =	shalt  }
0x4f: {  	_ =	shalt  }
0x50: {  	_ =	shalt  }
0x51: {  	_ =	shalt  }
0x52: {  	_ =	shalt  }
0x53: {  	_ =	shalt  }
0x54: {  	_ =	shalt  }
0x55: {  	_ =	shalt  }
0x56: {  	_ =	shalt  }
0x57: {  	_ =	shalt  }
0x58: {  	_ =	shalt  }
0x59: {  	_ =	shalt  }
0x5a: {  	_ =	shalt  }
0x5b: {  	_ =	shalt  }
0x5c: {  	_ =	shalt  }
0x5d: {  	_ =	shalt  }
0x5e: {  	_ =	shalt  }
0x5f: {  	_ =	shalt  }
0x60: {  	_ =	shalt  }
0x61: {  	_ =	shalt  }
0x62: {  	_ =	shalt  }
0x63: {  	_ =	shalt  }
0x64: {  	_ =	shalt  }
0x65: {  	_ =	shalt  }
0x66: {  	_ =	shalt  }
0x67: {  	_ =	shalt  }
0x68: {  	_ =	shalt  }
0x69: {  	_ =	shalt  }
0x6a: {  	_ =	shalt  }
0x6b: {  	_ =	shalt  }
0x6c: {  	_ =	shalt  }
0x6d: {  	_ =	shalt  }
0x6e: {  	_ =	shalt  }
0x6f: {  	_ =	shalt  }
0x70: {  	_ =	shalt  }
0x71: {  	_ =	shalt  }
0x72: {  	_ =	shalt  }
0x73: {  	_ =	shalt  }
0x74: {  	_ =	shalt  }
0x75: {  	_ =	shalt  }
0x76: {  	_ =	shalt  }
0x77: {  	_ =	shalt  }
0x78: {  	_ =	shalt  }
0x79: {  	_ =	shalt  }
0x7a: {  	_ =	shalt  }
0x7b: {  	_ =	shalt  }
0x7c: {  	_ =	shalt  }
0x7d: {  	_ =	shalt  }
0x7e: {  	_ =	shalt  }
0x7f: {  	_ =	shalt  }
0x80: {  	_ =	shalt  }
0x81: {  	_ =	shalt  }
0x82: {  	_ =	shalt  }
0x83: {  	_ =	shalt  }
0x84: {  	_ =	shalt  }
0x85: {  	_ =	shalt  }
0x86: {  	_ =	shalt  }
0x87: {  	_ =	shalt  }
.Lfunc_end0:
.L_simem_size_0:
called_computation.2_lowered:
.L_overlay_start_0:
0x88: {  	s2 =	sld [smem:$0x3FD9]  }
0x89: {  	s3 =	sld [smem:$0x3FFE];
	_ =	sdelay $0x1  }
0x8a: {  	s1 =	srdreg.scid  }
0x8b: {  	s0 =	sand.u32 $0x1, s1  }
0x8c: {  	s17 =	sshll.u32 s0, $0xA;
	s2 =	sadd.s32 s3, s2  }
0x8d: {  	s2 =	sadd.s32 s2, s17  }
0x8e: {  	[smem:$0x3FC6] =	sst s2  }
0x8f: {  	_ = 	snop  }
0x90: {  	s18 =	sld [smem:$0x3FD0];
	(tm) =	ssettm $0x1  }
0x91: {  	s19 =	sld [smem:$0x3FFB];
	_ =	sdelay $0x3  }
0x92: {  	_ =	strace s19  }
0x93: {  	s2 =	sld [smem:$0x3FFC];
	_ =	sdelay $0x3  }
0x94: {  	_ =	strace s2  }
0x95: {  	s2 =	sld [smem:$0x3FFD];
	_ =	sdelay $0x3  }
0x96: {  	_ =	strace s2  }
0x97: {  	_ =	strace $0x8FFFFFFF  }
0x98: {  	s20 =	sld [smem:$0x3FDB];
	_ =	sdelay $0x1  }
0x99: {  	s4 =	simm.s32 $_scs_section_size  }
0x9a: {  	s5 =	simm.s32 $_size__tile_overlayer_lowered;
	s6 =	simm.s32 $_tile_overlayer_lowered  }
0x9b: {  	s7 =	simm.s32 $0x1BFF;
	s21 =	sshll.u32 s6, $0x1;
	s4 =	sadd.s32 s4, s20  }
0x9c: {  	s22 =	simm.s32 $0x0;
	s5 =	sshll.u32 s5, $0x1;
	s6 =	sadd.s32 s21, s4  }
0x9d: {  	[timem:s22], [sflag:s7] =	dma.local [hbm:s6], s5  }
0x9e: {  	_ =	swait.ge [sflag:s7], s5  }
0x9f: {  	s5 =	ssub.s32 $0x0, s5;
	[sflag:s7] =	ssyncset.done $0x0  }
0xa0: {  	[sflag:s7] =	ssyncadd.s32 s5;
	_ =	sdelay $0x1  }
0xa1: {  	s23 =	simm.s32 $0x1B8B  }
0xa2: {  	_ =	swait.ge [sflag:s23], $0x1  }
0xa3: {  	[sflag:s23] =	ssyncset.done $0x0  }
0xa4: {  	[sflag:s23] =	ssyncadd.s32 $0xFFFFFFFF  }
0xa5: {  	s5 =	sld [smem:$0x0]  }
0xa6: {  	s6 =	sand.u32 $0xFFFFFFFE, s1  }
0xa7: {  	p0 =	sne.s32 s1, s6  }
0xa8: {  	s6 =	sshll.u32 @p0 s6, $0xE  }
0xa9: {  	s6 =	sadd.s32 @p0 $0x11B8D, s6;
	s7 =	sshll.u32 @p0 s5, $0x11  }
0xaa: {  	s6 =	sor.u32 @p0 s7, s6  }
0xab: {  	[sflag:s6] =	ssyncadd.remote.s32 @p0 $0x1;
	_ =	sdelay $0x1  }
0xac: {  	s6 =	simm.s32 @p0 $0x1B8D  }
0xad: {  	_ =	swait.eq @p0 [sflag:s6], $0x1  }
0xae: {  	[sflag:s6] =	ssyncadd.s32 @p0 $0xFFFFFFFF  }
0xaf: {  	s7 =	sshll.u32 @!p0 s1, $0xE  }
0xb0: {  	s7 =	sor.u32 @!p0 $0x4000, s7;
	s6 =	simm.s32 @!p0 $0x1B8D  }
0xb1: {  	s5 =	sshll.u32 @!p0 s5, $0x11;
	s7 =	sadd.s32 @!p0 $0x11B8D, s7;
	_ =	swait.eq @!p0 [sflag:s6], $0x1  }
0xb2: {  	s5 =	sor.u32 @!p0 s5, s7;
	[sflag:s6] =	ssyncadd.s32 @!p0 $0xFFFFFFFF  }
0xb3: {  	s25 =	simm.s32 $0x1B8E;
	s24 =	sld [smem:$0x3FFE];
	[sflag:s5] =	ssyncadd.remote.s32 @!p0 $0x1  }
0xb4: {  	s26 =	simm.s32 $execute0_lowered;
	[smem:$0x3FD2] =	sst s25  }
0xb5: {  	s6 =	sshll.u32 s26, $0x1;
	_ =	strace $0x80000049;
	[dreg:$0x1] =	wrdreg $0xFFFFFFFF  }
0xb6: {  	s28 =	simm.s32 $_size_execute0_lowered;
	s4 =	sadd.s32 s4, s6;
	[dreg:$0x0] =	wrdreg $0x0  }
0xb7: {  	s6 =	sshll.u32 s28, $0x1;
	[dreg:$0x2] =	wrdreg s4  }
0xb8: {  	[dreg:$0x3] =	wrdreg s6  }
0xb9: {  	[dreg:$0x4] =	wrdreg $0xC0  }
0xba: {  	_ =	task [dreg:s22], $0x5FFFF  }
0xbb: {  	[dreg:$0x1] =	wrdreg $0xFFFFFFFF  }
0xbc: {  	[dreg:$0x0] =	wrdreg $0x60  }
0xbd: {  	[dreg:$0x2] =	wrdreg s24  }
0xbe: {  	[dreg:$0x3] =	wrdreg s18  }
0xbf: {  	[dreg:$0x4] =	wrdreg $0xA  }
0xc0: {  	_ =	task.clear_ibuf [dreg:s22], $0x5FFFF;
	_ =	strace $0x90000049  }
0xc1: {  	s29 =	simm.s32 $0xA;
	_ =	strace $0x8000004B  }
0xc2: {  	_ =	swait.ge [sflag:s29], $0x1  }
0xc3: {  	[sflag:s29] =	ssyncadd.s32 $0xFFFFFFFF  }
0xc4: {  	_ =	strace $0x9000004B  }
0xc5: {  	_ =	sfence  }
0xc6: {  	s30 =	sld [smem:$0x0];
	_ =	sdelay $0x2  }
0xc7: {  	s31 =	sshll.u32 s1, $0xD;
	s1 =	sshrl.u32 s1, $0x2  }
0xc8: {  	s4 =	sand.u32 $0x4000, s31;
	s1 =	sadd.s32 s1, s30  }
0xc9: {  	s0 =	sor.u32 s4, s0;
	s1 =	sshll.u32 s1, $0x11  }
0xca: {  	s0 =	sor.u32 s1, s0  }
0xcb: {  	s0 =	sadd.s32 $0x8F2B, s0  }
0xcc: {  	[sflag:s0] =	ssyncadd.remote.s32 $0x1  }
0xcd: {  	_ =	sfence.sel $0xFFFF  }
0xce: {  	[dreg:$0x0] =	wrdreg $0xFFFFFFFF;
	(pc) =	sbr.abs _section_cstart, $3  }
0xcf: {  	[dreg:$0x1] =	wrdreg $0xFFFFFFFF  }
0xd0: {  	_ =	task.clear_ibuf [dreg:s22], $0x2FFFF;
	_ =	strace $0x9FFFFFFF  }
0xd1: {  	(tm) =	ssettm $0x7FFFFFFF  }
tec
execute0_lowered:
.L_overlay_start_1:
0x0: {  	(tag) =	ssettag $0x1  }
0x1: {  	s0 =	srdreg.scid;
	s1 =	rddreg [dreg:$0x0]  }
0x2: {  	s3 =	stileid.u32;
	s2 =	rddreg [dreg:$0x1];
	s8 =	simm.s32 $0x9  }
0x3: {  	s9 =	simm.s32 $0x64;
	s10 =	simm.s32 $0x3400;
	s11 =	simm.s32 $0x68  }
0x4: {  	s12 =	simm.s32 $0x6600;
	s13 =	simm.s32 $0xD0;
	s14 =	simm.s32 $0x9800  }
0x5: {  	s15 =	simm.s32 $0x138;
	s16 =	simm.s32 $0xCA00;
	s17 =	simm.s32 $0x1  }
0x6: {  	s18 =	simm.s32 $0x2;
	s19 =	simm.s32 $0x3;
	s20 =	simm.s32 $0x4  }
0x7: {  	s21 =	simm.s32 $0x5;
	s22 =	simm.s32 $0x6;
	s0 =	sand.u32 $0x1, s0  }
0x8: {  	s23 =	simm.s32 $0x7;
	s3 =	sshll.u32 s3, $0x8;
	s4 =	sshll.u32 s0, $0x7  }
.Ltmp0:
0x9: {  	s24 =	simm.s32 $0x8;
	s3 =	sor.u32 s4, s3;
	(pc) =	sbr.rel .LBB2_1-.Ltmp0, $4  }
0xa: {  	s0 =	ssub.s32 $0x2, s0;
	s4 =	simm.s32 $0x0;
	s5 =	smul.u32 $0xD, s3  }
0xb: {  	s25 =	simm.s32 $0x0;
	s6 =	sshrl.u32 s0, $0x1;
	[smem:$0x7FF] =	sst s4  }
0xc: {  	s0 =	ssub.s32 s0, s6;
	_ =	strace $0x8000004A;
	s7 =	sadd.s32 s5, s1  }
0xd: {  	s5 =	sadd.s32 $0xE000, s1;
	s6 =	sadd.s32 $0x1270400, s7;
	s7 =	smax.u32 s0, $0x1  }
.LBB2_12:
0xe: {  	_ =	swait.ge [sflag:s22], $0x1900  }
0xf: {  	[sflag:s22] =	ssyncset.done $0x0  }
0x10: {  	s25 =	sadd.s32 $0x1, s25;
	[sflag:s22] =	ssyncadd.s32 $0xFFFFE700  }
0x11: {  	p0 =	sne.s32 s25, s7;
	_ =	swait.ge [sflag:s23], $0x1900  }
.Ltmp1:
0x12: {  	[sflag:s23] =	ssyncset.done $0x0;
	(pc) =	sbr.rel @!p0 .LBB2_13-.Ltmp1, $4  }
0x13: {  	[sflag:s23] =	ssyncadd.s32 $0xFFFFE700  }
0x14: {  	_ =	swait.ge [sflag:s24], $0x1900  }
0x15: {  	[sflag:s24] =	ssyncset.done $0x0  }
0x16: {  	[sflag:s24] =	ssyncadd.s32 $0xFFFFE700  }
.LBB2_1:
0x17: {  	[tilespmem:s4], [sflag:$0x9] =	stream.linear.gather [hbm4b:s6+s4], $0x3400, $0x38;
	[tilespmem:$0xFC00] =	vst v63  }
0x18: {  	_ =	swait.ge [sflag:s8], $0x3400  }
0x19: {  	[sflag:s8] =	ssyncset.done $0x0  }
0x1a: {  	[sflag:s8] =	ssyncadd.s32 $0xFFFFCC00  }
0x1b: {  	[tilespmem:s10], [sflag:$0x1] =	stream.indirect.gather [hbm4b:s5+s9], $0x80, s4, s9, $0xb8;
	[tilespmem:$0xFC00] =	vst v63  }
0x1c: {  	_ = 	snop  }
0x1d: {  	[tilespmem:s12], [sflag:$0x2] =	stream.indirect.gather [hbm4b:s5+s9], $0x80, s11, s9, $0xb8;
	[tilespmem:$0xFC00] =	vst v63  }
0x1e: {  	_ = 	snop  }
0x1f: {  	[tilespmem:s14], [sflag:$0x3] =	stream.indirect.gather [hbm4b:s5+s9], $0x80, s13, s9, $0xb8;
	[tilespmem:$0xFC00] =	vst v63  }
0x20: {  	s26 =	simm.s32 $0x0  }
0x21: {  	[tilespmem:s16], [sflag:$0x4] =	stream.indirect.gather [hbm4b:s5+s9], $0x80, s15, s9, $0xb8;
	[tilespmem:$0xFC00] =	vst v63  }
.LBB2_2:
0x22: {  	s0 =	sshll.u32 s26, $0x2  }
0x23: {  	s28 =	sadd.s32 s3, s0  }
0x24: {  	s0 =	smul.u32 $0x320, s28  }
0x25: {  	_ =	swait.ge [sflag:s17], $0x3200;
	s30 =	simm.s32 $0x3400  }
0x26: {  	s31 =	simm.s32 $0x8;
	[sflag:s17] =	ssyncset.done $0x0;
	s29 =	sadd.s32 s2, s0  }
0x27: {  	s1 =	simm.s32 $0x3480;
	[sflag:s17] =	ssyncadd.s32 $0xFFFFCE00;
	s0 =	sadd.s32 $0x0, s29  }
.LBB2_3:
0x28: {  	[hbm4b:s0+s4] =	stream.linear.scatter [tilespmem:s30], [sflag:$0x5], $0x40, $0x38;
	[tilespmem:$0xFC00] =	vst v63  }
0x29: {  	s0 =	smov.u32 s31;
	s30 =	smov.u32 s1;
	p0 =	sne.s32 s31, $0x318  }
.Ltmp2:
0x2a: {  	s31 =	sadd.s32 $0x8, s31;
	(pc) =	sbr.rel @p0 .LBB2_3-.Ltmp2, $2  }
0x2b: {  	_ =	sdelay $0x2  }
0x2c: {  	s1 =	sadd.s32 $0x80, s1;
	s0 =	sadd.s32 s0, s29  }
0x2d: {  	s1 =	smul.u32 $0x1900, s28  }
0x2e: {  	[hbm4b:s0+s4] =	stream.linear.scatter [tilespmem:s30], [sflag:$0x5], $0x40, $0x38;
	[tilespmem:$0xFC00] =	vst v63  }
0x2f: {  	s1 =	sshrl.u32 s1, $0x3  }
0x30: {  	s30 =	simm.s32 $0x6600;
	_ =	swait.ge [sflag:s18], $0x3200;
	s28 =	sadd.s32 s2, s1  }
0x31: {  	s31 =	simm.s32 $0x8;
	[sflag:s18] =	ssyncset.done $0x0;
	s29 =	sadd.s32 $0x320, s28  }
0x32: {  	[sflag:s18] =	ssyncadd.s32 $0xFFFFCE00;
	s1 =	simm.s32 $0x6680;
	s0 =	sadd.s32 $0x0, s29  }
.LBB2_5:
0x33: {  	[hbm4b:s0+s4] =	stream.linear.scatter [tilespmem:s30], [sflag:$0x6], $0x40, $0x38;
	[tilespmem:$0xFC00] =	vst v63  }
0x34: {  	s0 =	smov.u32 s31;
	s30 =	smov.u32 s1;
	p0 =	sne.s32 s31, $0x318  }
.Ltmp3:
0x35: {  	s31 =	sadd.s32 $0x8, s31;
	(pc) =	sbr.rel @p0 .LBB2_5-.Ltmp3, $2  }
0x36: {  	_ =	sdelay $0x2  }
0x37: {  	s1 =	sadd.s32 $0x80, s1;
	s0 =	sadd.s32 s0, s29  }
0x38: {  	[hbm4b:s0+s4] =	stream.linear.scatter [tilespmem:s30], [sflag:$0x6], $0x40, $0x38;
	[tilespmem:$0xFC00] =	vst v63  }
0x39: {  	s29 =	sadd.s32 $0x640, s28;
	_ =	swait.ge [sflag:s19], $0x3200  }
0x3a: {  	s30 =	simm.s32 $0x9800;
	s31 =	simm.s32 $0x8;
	[sflag:s19] =	ssyncset.done $0x0  }
0x3b: {  	s1 =	simm.s32 $0x9880;
	s0 =	sadd.s32 $0x0, s29;
	[sflag:s19] =	ssyncadd.s32 $0xFFFFCE00  }
.LBB2_7:
0x3c: {  	[hbm4b:s0+s4] =	stream.linear.scatter [tilespmem:s30], [sflag:$0x7], $0x40, $0x38;
	[tilespmem:$0xFC00] =	vst v63  }
0x3d: {  	s0 =	smov.u32 s31;
	s30 =	smov.u32 s1;
	p0 =	sne.s32 s31, $0x318  }
.Ltmp4:
0x3e: {  	s31 =	sadd.s32 $0x8, s31;
	(pc) =	sbr.rel @p0 .LBB2_7-.Ltmp4, $2  }
0x3f: {  	_ =	sdelay $0x2  }
0x40: {  	s1 =	sadd.s32 $0x80, s1;
	s0 =	sadd.s32 s0, s29  }
0x41: {  	[hbm4b:s0+s4] =	stream.linear.scatter [tilespmem:s30], [sflag:$0x7], $0x40, $0x38;
	[tilespmem:$0xFC00] =	vst v63  }
0x42: {  	s28 =	sadd.s32 $0x960, s28;
	_ =	swait.ge [sflag:s20], $0x3200  }
0x43: {  	s29 =	simm.s32 $0xCA00;
	s30 =	simm.s32 $0x8;
	[sflag:s20] =	ssyncset.done $0x0  }
0x44: {  	s1 =	simm.s32 $0xCA80;
	s0 =	sadd.s32 $0x0, s28;
	[sflag:s20] =	ssyncadd.s32 $0xFFFFCE00  }
.LBB2_9:
0x45: {  	[hbm4b:s0+s4] =	stream.linear.scatter [tilespmem:s29], [sflag:$0x8], $0x40, $0x38;
	[tilespmem:$0xFC00] =	vst v63  }
0x46: {  	s0 =	smov.u32 s30;
	s29 =	smov.u32 s1;
	p0 =	sne.s32 s30, $0x318  }
.Ltmp5:
0x47: {  	s30 =	sadd.s32 $0x8, s30;
	(pc) =	sbr.rel @p0 .LBB2_9-.Ltmp5, $2  }
0x48: {  	_ =	sdelay $0x2  }
0x49: {  	s1 =	sadd.s32 $0x80, s1;
	s0 =	sadd.s32 s0, s28  }
0x4a: {  	p0 =	seq.s32 s26, $0x1F  }
.Ltmp6:
0x4b: {  	_ = 	snop;
	(pc) =	sbr.rel @p0 .LBB2_12-.Ltmp6, $4  }
0x4c: {  	[hbm4b:s0+s4] =	stream.linear.scatter [tilespmem:s29], [sflag:$0x8], $0x40, $0x38;
	[tilespmem:$0xFC00] =	vst v63  }
0x4d: {  	_ =	swait.ge [sflag:s21], $0x1900  }
0x4e: {  	[sflag:s21] =	ssyncset.done $0x0  }
0x4f: {  	[sflag:s21] =	ssyncadd.s32 $0xFFFFE700  }
0x50: {  	s0 =	smul.u32 $0x680, s26;
	_ =	sdelay $0x1  }
0x51: {  	s0 =	sshra.s32 s0, $0x2  }
0x52: {  	s1 =	sadd.s32 $0x1A0, s0  }
0x53: {  	[tilespmem:s10], [sflag:$0x1] =	stream.indirect.gather [hbm4b:s5+s9], $0x80, s1, s9, $0xb8;
	[tilespmem:$0xFC00] =	vst v63  }
0x54: {  	_ =	swait.ge [sflag:s22], $0x1900  }
0x55: {  	[sflag:s22] =	ssyncset.done $0x0  }
0x56: {  	s30 =	sadd.s32 $0x208, s0;
	[sflag:s22] =	ssyncadd.s32 $0xFFFFE700  }
0x57: {  	[tilespmem:s12], [sflag:$0x2] =	stream.indirect.gather [hbm4b:s5+s9], $0x80, s30, s9, $0xb8;
	[tilespmem:$0xFC00] =	vst v63  }
0x58: {  	_ =	swait.ge [sflag:s23], $0x1900  }
0x59: {  	[sflag:s23] =	ssyncset.done $0x0  }
0x5a: {  	s31 =	sadd.s32 $0x270, s0;
	[sflag:s23] =	ssyncadd.s32 $0xFFFFE700  }
0x5b: {  	[tilespmem:s14], [sflag:$0x3] =	stream.indirect.gather [hbm4b:s5+s9], $0x80, s31, s9, $0xb8;
	[tilespmem:$0xFC00] =	vst v63  }
.Ltmp7:
0x5c: {  	_ = 	snop;
	(pc) =	sbr.rel .LBB2_2-.Ltmp7, $4  }
0x5d: {  	_ =	swait.ge [sflag:s24], $0x1900  }
0x5e: {  	[sflag:s24] =	ssyncset.done $0x0  }
0x5f: {  	s26 =	sadd.s32 $0x1, s26;
	s0 =	sadd.s32 $0x2D8, s0;
	[sflag:s24] =	ssyncadd.s32 $0xFFFFE700  }
0x60: {  	[tilespmem:s16], [sflag:$0x4] =	stream.indirect.gather [hbm4b:s5+s9], $0x80, s0, s9, $0xb8;
	[tilespmem:$0xFC00] =	vst v63  }
.LBB2_13:
0x61: {  	_ =	sfence.sel $0x180000  }
0x62: {  	[bflag:$0x0] =	sbarrier.arrive $0xFFFF  }
0x63: {  	_ =	strace $0x9000004A  }
0x64: {  	s0 =	stileid.u32;
	[bflag:$0x2] =	sbarrier.arrive $0xFFFF  }
0x65: {  	p0 =	sne.s32 s0, $0x0;
	s0 =	rddreg [dreg:$0x2]  }
0x66: {  	s0 =	sadd.s32 @!p0 $0x100000, s0  }
0x67: {  	[sflag:s0] =	ssyncadd.tile.s32 @!p0 $0x1;
	_ =	shalt  }
.Lfunc_end2:
_tile_overlayer_lowered:
.L_overlay_start_2:
0x68: {  	(tag) =	ssettag $0x2  }
0x69: {  	s0 =	rddreg [dreg:$0x0];
	s2 =	stileid.u32  }
0x6a: {  	s1 =	rddreg [dreg:$0x1];
	p0 =	sne.s32 s2, $0x0  }
0x6b: {  	s3 =	rddreg [dreg:$0x2];
	[bflag:$0x3] =	sbarrier.arrive $0xFFFF;
	s2 =	simm.s32 @!p0 $0x1C09  }
0x6c: {  	[timem:s3], [sflag:s2] =	dma.local @!p0 [hbm:s0], s1  }
0x6d: {  	s0 =	simm.s32 @!p0 $0x9  }
0x6e: {  	_ =	swait.ge @!p0 [sflag:s0], s1  }
0x6f: {  	s1 =	ssub.s32 @!p0 $0x0, s1;
	[sflag:s0] =	ssyncset.done @!p0 $0x0  }
0x70: {  	[sflag:s0] =	ssyncadd.s32 @!p0 s1  }
0x71: {  	[bflag:$0x3] =	sbarrier.arrive $0xFFFF  }
0x72: {  	_ =	shalt  }

// kernel: sparse-core-data-format-call.cloned.1.call-start
scs
called_computation_lowered:
.L_overlay_start_0:
0x0: {  	s2 =	sld [smem:$0x3FD9]  }
0x1: {  	s3 =	sld [smem:$0x3FFE];
	_ =	sdelay $0x1  }
0x2: {  	s1 =	srdreg.scid  }
0x3: {  	s0 =	sand.u32 $0x1, s1  }
0x4: {  	s18 =	sshll.u32 s0, $0xA;
	s2 =	sadd.s32 s3, s2  }
0x5: {  	s2 =	sadd.s32 s2, s18  }
0x6: {  	[smem:$0x3FC6] =	sst s2  }
0x7: {  	_ = 	snop  }
0x8: {  	s2 =	sld [smem:$0x3FD0];
	(tm) =	ssettm $0x1  }
0x9: {  	s19 =	sld [smem:$0x3FFB];
	_ =	sdelay $0x3  }
0xa: {  	_ =	strace s19  }
0xb: {  	s3 =	sld [smem:$0x3FFC];
	_ =	sdelay $0x3  }
0xc: {  	_ =	strace s3  }
0xd: {  	s3 =	sld [smem:$0x3FFD];
	_ =	sdelay $0x3  }
0xe: {  	_ =	strace s3  }
0xf: {  	_ =	strace $0x8FFFFFFF  }
0x10: {  	s20 =	sld [smem:$0x3FDB];
	_ =	sdelay $0x1  }
0x11: {  	s4 =	simm.s32 $_scs_section_size  }
0x12: {  	s5 =	simm.s32 $_size__tile_overlayer_lowered;
	s6 =	simm.s32 $_tile_overlayer_lowered  }
0x13: {  	s23 =	simm.s32 $0x1BFF;
	s22 =	sshll.u32 s6, $0x1;
	s3 =	sadd.s32 s4, s20  }
0x14: {  	s7 =	simm.s32 $0x0;
	s21 =	sshll.u32 s5, $0x1;
	s5 =	sadd.s32 s22, s3  }
0x15: {  	[timem:s7], [sflag:s23] =	dma.local [hbm:s5], s21  }
0x16: {  	_ =	swait.ge [sflag:s23], s21  }
0x17: {  	s4 =	ssub.s32 $0x0, s21;
	[sflag:s23] =	ssyncset.done $0x0  }
0x18: {  	[sflag:s23] =	ssyncadd.s32 s4;
	_ =	sdelay $0x1  }
0x19: {  	s24 =	simm.s32 $0x1B8B  }
0x1a: {  	_ =	swait.ge [sflag:s24], $0x1  }
0x1b: {  	[sflag:s24] =	ssyncset.done $0x0  }
0x1c: {  	s26 =	simm.s32 $0x1B8E;
	s25 =	sld [smem:$0x3FFE];
	[sflag:s24] =	ssyncadd.s32 $0xFFFFFFFF  }
0x1d: {  	s27 =	simm.s32 $execute0_lowered;
	[smem:$0x3FD2] =	sst s26  }
0x1e: {  	s5 =	sshll.u32 s27, $0x1;
	_ =	strace $0x8000004C;
	[dreg:$0x1] =	wrdreg $0xFFFFFFFF  }
0x1f: {  	s28 =	simm.s32 $_size_execute0_lowered;
	s3 =	sadd.s32 s3, s5;
	[dreg:$0x0] =	wrdreg $0x0  }
0x20: {  	s5 =	sshll.u32 s28, $0x1;
	[dreg:$0x2] =	wrdreg s3  }
0x21: {  	[dreg:$0x3] =	wrdreg s5  }
0x22: {  	[dreg:$0x4] =	wrdreg $0xC0  }
0x23: {  	_ =	task [dreg:s7], $0x5FFFF  }
0x24: {  	[dreg:$0x1] =	wrdreg $0xFFFFFFFF  }
0x25: {  	[dreg:$0x0] =	wrdreg $0x60  }
0x26: {  	[dreg:$0x2] =	wrdreg s25  }
0x27: {  	[dreg:$0x3] =	wrdreg s2  }
0x28: {  	[dreg:$0x4] =	wrdreg $0x9  }
0x29: {  	_ =	task.clear_ibuf [dreg:s7], $0x5FFFF;
	_ =	strace $0x9000004C  }
0x2a: {  	s29 =	simm.s32 $0x9;
	_ =	strace $0x8000004E  }
0x2b: {  	_ =	swait.ge [sflag:s29], $0x1  }
0x2c: {  	[sflag:s29] =	ssyncadd.s32 $0xFFFFFFFF  }
0x2d: {  	_ =	strace $0x9000004E  }
0x2e: {  	_ =	sfence  }
0x2f: {  	s30 =	sld [smem:$0x0];
	_ =	sdelay $0x2  }
0x30: {  	s31 =	sshll.u32 s1, $0xD;
	s1 =	sshrl.u32 s1, $0x2  }
0x31: {  	s3 =	sand.u32 $0x4000, s31;
	s1 =	sadd.s32 s1, s30  }
0x32: {  	s0 =	sor.u32 s3, s0;
	s1 =	sshll.u32 s1, $0x11  }
0x33: {  	s0 =	sor.u32 s1, s0  }
0x34: {  	s0 =	sadd.s32 $0x8F2B, s0  }
0x35: {  	[sflag:s0] =	ssyncadd.remote.s32 $0x1  }
0x36: {  	_ =	sfence.sel $0xFFFF  }
0x37: {  	[dreg:$0x0] =	wrdreg $0xFFFFFFFF;
	(pc) =	sbr.abs _section_cstart, $3  }
0x38: {  	[dreg:$0x1] =	wrdreg $0xFFFFFFFF  }
0x39: {  	_ =	task.clear_ibuf [dreg:s7], $0x2FFFF;
	_ =	strace $0x9FFFFFFF  }
0x3a: {  	(tm) =	ssettm $0x7FFFFFFF  }
0x3b: {  	_ =	shalt  }
tec
execute0_lowered:
.L_overlay_start_1:
0x0: {  	(tag) =	ssettag $0x1  }
0x1: {  	s0 =	srdreg.scid  }
0x2: {  	s1 =	sshll.u32 s0, $0x4  }
0x3: {  	s0 =	stileid.u32;
	s1 =	sand.u32 $0x10, s1  }
0x4: {  	s1 =	sor.u32 s0, s1  }
0x5: {  	s6 =	rddreg [dreg:$0x0];
	s4 =	simm.s32 $0x1;
	s2 =	sshll.u32 s1, $0x7  }
0x6: {  	s7 =	simm.s32 $0x2;
	s12 =	simm.s32 $0x0;
	s1 =	ssub.s32 $0x1000, s2  }
0x7: {  	s8 =	simm.s32 $0x8000;
	s13 =	simm.s32 $0x0;
	s3 =	sand.u32 $0xF80, s1  }
0x8: {  	s9 =	simm.s32 $0x0;
	s5 =	sshrl.u32 s1, $0xC;
	p0 =	sne.s32 s3, $0x0  }
.Ltmp0:
0x9: {  	s1 =	rddreg [dreg:$0x2];
	s4 =	simm.s32 @!p0 $0x0;
	(pc) =	sbr.rel .LBB1_1-.Ltmp0, $4  }
0xa: {  	s11 =	simm.s32 $0x0;
	s3 =	rddreg [dreg:$0x1];
	s5 =	sadd.s32 s4, s5  }
0xb: {  	_ =	strace $0x8000004D;
	s4 =	simm.s32 $0x1;
	s5 =	smul.u32 $0xC8, s5  }
0xc: {  	s6 =	sadd.s32 $0x18FD400, s6;
	s10 =	smov.u32 s2;
	[sflag:s4] =	ssyncpa.u1 $0x0  }
0xd: {  	p0 =	por $0x0, $0x0;
	[sflag:s7] =	ssyncpa.u1 $0x0;
	s7 =	sor.u32 $0x1, s5  }
.LBB1_4:
0xe: {  	s16 =	sshll.u32 s13, $0x3;
	s17 =	sand.u32 $0x78, s13  }
0xf: {  	s30 =	sand.u32 $0x7E00, s13;
	s12 =	sshll.u32 s12, $0xF;
	s16 =	sand.u32 $0xC00, s16  }
0x10: {  	[tilespmem:s15+$0x810 ss:$0x81] =	vst.msk $0xffff, v2;
	s31 =	sand.u32 $0x7, s13;
	s16 =	sor.u32 s17, s16;
	s17 =	sadd.s32 s3, s30  }
0x11: {  	[tilespmem:s15+$0x1020 ss:$0x81] =	vst.msk $0xffff, v0;
	s13 =	sshll.u32 s31, $0x12;
	s12 =	sadd.s32 s12, s17;
	s16 =	sshrl.u32 s16, $0x3  }
0x12: {  	[tilespmem:s15+$0x0 ss:$0x81] =	vst.msk $0xffff, v1;
	s13 =	sor.u32 $0x400, s13;
	s12 =	sadd.s32 s16, s12  }
0x13: {  	[hbm4b:s12+s13] =	stream.strided.scatter [tilespmem:s14], [sflag:$0x2], $0x2000, s8, s13, $0x20;
	[tilespmem:$0x8080] =	vst v63  }
.LBB1_5:
0x14: {  	s14 =	sadd.s32 $0x1, s9  }
0x15: {  	s12 =	sadd.s32 $0x1000, s10;
	s16 =	smov.u32 s10;
	p2 =	sgt.s32 s14, $0xC7  }
0x16: {  	s16 =	smov.u32 @p2 s12  }
0x17: {  	s14 =	simm.s32 @p2 $0x0;
	p2 =	sgt.s32 s16, $0xFFF  }
0x18: {  	s16 =	smov.u32 @p2 s2;
	p2 =	sne.s32 s11, s7  }
.Ltmp1:
0x19: {  	p1 =	slt.u32 s11, $0x2;
	(pc) =	sbr.rel @!p2 .LBB1_6-.Ltmp1, $4  }
0x1a: {  	s15 =	simm.s32 @!p1 $0x2  }
0x1b: {  	s13 =	smov.u32 s10;
	p0 =	por !p0, !p0;
	_ =	swait.ge @!p1 [sflag:s15], $0x2000  }
0x1c: {  	s12 =	smov.u32 s9;
	[sflag:s15] =	ssyncset.done @!p1 $0x0;
	s9 =	smov.u32 s14  }
0x1d: {  	s11 =	sadd.s32 $0x1, s11;
	[sflag:s15] =	ssyncadd.s32 @!p1 $0xFFFFE000;
	s10 =	smov.u32 s16  }
.LBB1_1:
0x1e: {  	p1 =	sge.u32 s11, s5  }
0x1f: {  	s14 =	sand.u32 @!p1 $0x1FFFFFF, s9  }
0x20: {  	s15 =	smulhi.u32 @!p1 $0x147AE15, s14;
	_ =	sdelay $0x1  }
0x21: {  	s15 =	smul.u32 @!p1 $0xC8, s15  }
0x22: {  	s16 =	sxor.u32 @!p1 $0xFFFFFFFF, s11;
	s17 =	smul.u32 @!p1 $0xC80, s10  }
0x23: {  	s31 =	sadd.s32 $0xFFFFFFFF, s11;
	s16 =	sshll.u32 @!p1 s16, $0xD;
	s14 =	ssub.s32 @!p1 s14, s15  }
0x24: {  	s15 =	sand.u32 @!p1 $0x2000, s16;
	s16 =	sadd.s32 @!p1 s6, s17;
	s14 =	sshll.u32 @!p1 s14, $0x4  }
0x25: {  	s17 =	simm.s32 @!p1 $0x6400;
	s14 =	sadd.s32 @!p1 s14, s16;
	s16 =	simm.s32 @!p1 $0x40  }
0x26: {  	[tilespmem:s15], [sflag:$0x1] =	stream.strided.gather @!p1 [hbm4b:s14+s16], $0x2000, s17, s16, $0x38;
	[tilespmem:$0x8080] =	vst v63  }
0x27: {  	p1 =	sge.u32 s31, s5  }
.Ltmp2:
0x28: {  	_ = 	snop;
	(pc) =	sbr.rel @p1 .LBB1_5-.Ltmp2, $1  }
0x29: {  	_ =	sdelay $0x3  }
0x2a: {  	s14 =	simm.s32 $0x1  }
0x2b: {  	_ =	swait.ge [sflag:s4], $0x2000;
	s14 =	simm.s32 @!p0 $0x0  }
0x2c: {  	[sflag:s4] =	ssyncset.done $0x0;
	s15 =	sshll.u32 s14, $0xD  }
0x2d: {  	[sflag:s4] =	ssyncadd.s32 $0xFFFFE000;
	s18 =	sor.u32 $0x20, s15  }
0x2e: {  	s14 =	smul.u32 $0x8100, s14;
	v3 =	vld [tilespmem:s18+$0x10]  }
0x2f: {  	s30 =	sand.u32 $0x1, s11;
	v2 =	vld [tilespmem:s18+$0xFFFFFFF0]  }
0x30: {  	s15 =	smul.u32 $0x8100, s30;
	s14 =	sshrl.u32 s14, $0x2;
	v0 =	vld [tilespmem:s18+$0x0]  }
0x31: {  	v1 =	vld [tilespmem:s18+$0xFFFFFFE0];
	s16 =	sor.u32 $0x4000, s14  }
0x32: {  	s31 =	sshrl.u32 s15, $0x2;
	s15 =	sadd.s32 $0x0, s16  }
0x33: {  	s17 =	simm.s32 $0x4;
	s18 =	sadd.s32 $0x40, s18;
	s14 =	sor.u32 $0x4000, s31;
	[tilespmem:s15+$0x1830 ss:$0x81] =	vst.msk $0xffff, v3  }
.LBB1_3:
0x34: {  	v3 =	vld [tilespmem:s18+$0x10];
	p1 =	sne.s32 s17, $0x1FC;
	[tilespmem:s15+$0x810 ss:$0x81] =	vst.msk $0xffff, v2;
	s19 =	smov.u32 s17;
	s17 =	sadd.s32 $0x4, s17  }
.Ltmp3:
0x35: {  	v2 =	vld [tilespmem:s18+$0xFFFFFFF0];
	[tilespmem:s15+$0x1020 ss:$0x81] =	vst.msk $0xffff, v0;
	(pc) =	sbr.rel @p1 .LBB1_3-.Ltmp3, $4  }
0x36: {  	v0 =	vld [tilespmem:s18+$0x0];
	[tilespmem:s15+$0x0 ss:$0x81] =	vst.msk $0xffff, v1  }
0x37: {  	s15 =	sshra.s32 s19, $0x2;
	v1 =	vld [tilespmem:s18+$0xFFFFFFE0]  }
0x38: {  	s15 =	sadd.s32 s15, s16  }
0x39: {  	s18 =	sadd.s32 $0x40, s18;
	[tilespmem:s15+$0x1830 ss:$0x81] =	vst.msk $0xffff, v3  }
.Ltmp4:
0x3a: {  	_ = 	snop;
	(pc) =	sbr.rel .LBB1_4-.Ltmp4, $1  }
0x3b: {  	_ =	sdelay $0x3  }
.LBB1_6:
0x3c: {  	_ =	sfence.sel $0x180000  }
0x3d: {  	s2 =	simm.s32 $0x1;
	[bflag:$0x0] =	sbarrier.arrive $0xFFFF  }
0x3e: {  	s31 =	simm.s32 $0x2;
	[sflag:s2] =	ssyncpa.u1 $0x1  }
0x3f: {  	[sflag:s31] =	ssyncpa.u1 $0x1  }
0x40: {  	p0 =	sne.s32 s0, $0x0;
	_ =	strace $0x9000004D  }
0x41: {  	s0 =	sadd.s32 @!p0 $0x100000, s1;
	[bflag:$0x2] =	sbarrier.arrive $0xFFFF  }
0x42: {  	[sflag:s0] =	ssyncadd.tile.s32 @!p0 $0x1;
	_ =	shalt  }
.Lfunc_end1:
_tile_overlayer_lowered:
.L_overlay_start_2:
0x43: {  	(tag) =	ssettag $0x2  }
0x44: {  	s0 =	rddreg [dreg:$0x0];
	s2 =	stileid.u32  }
0x45: {  	s1 =	rddreg [dreg:$0x1];
	p0 =	sne.s32 s2, $0x0  }
0x46: {  	s3 =	rddreg [dreg:$0x2];
	[bflag:$0x3] =	sbarrier.arrive $0xFFFF;
	s2 =	simm.s32 @!p0 $0x1C01  }
0x47: {  	[timem:s3], [sflag:s2] =	dma.local @!p0 [hbm:s0], s1  }
0x48: {  	s0 =	simm.s32 @!p0 $0x1  }
0x49: {  	_ =	swait.ge @!p0 [sflag:s0], s1  }
0x4a: {  	s1 =	ssub.s32 @!p0 $0x0, s1;
	[sflag:s0] =	ssyncset.done @!p0 $0x0  }
0x4b: {  	[sflag:s0] =	ssyncadd.s32 @!p0 s1  }
0x4c: {  	[bflag:$0x3] =	sbarrier.arrive $0xFFFF  }
0x4d: {  	_ =	shalt  }

</sc_bundles>
